<compile_context>
chip_gen: v7x
topology: tpu7x:2x2x1
jax: 0.10.2.dev20260603
libtpu: 0.0.44.dev20260713+nightly
codegen_flags: <defaults>
</compile_context>

<pallas_src>
import functools

import jax
import jax.numpy as jnp
from jax import lax
from jax.experimental import pallas as pl
from jax.experimental.pallas import tpu as pltpu
from jax.experimental.pallas import tpu_sc as plsc

_NUM_BINS = 256
_L = 16
_NC = 2
_NS = 16
_CHUNK = 4096


@functools.lru_cache(maxsize=None)
def _build_sc_kernel(n, na):
    nw = _NC * _NS
    per_w = n // nw
    n_chunks = per_w // _CHUNK
    assert per_w * nw == n and n_chunks * _CHUNK == per_w
    groups = _CHUNK // _L

    mesh = plsc.VectorSubcoreMesh(core_axis_name="c", subcore_axis_name="s")
    na_pad = ((na + _L - 1) // _L) * _L

    @functools.partial(
        pl.kernel,
        out_type=jax.ShapeDtypeStruct((n * 4,), jnp.float32),
        mesh=mesh,
        compiler_params=pltpu.CompilerParams(needs_layout_passes=False),
        scratch_types=[
            pltpu.VMEM((_NUM_BINS,), jnp.float32),
            pltpu.VMEM((_NUM_BINS, 3), jnp.float32),
            pltpu.VMEM((na_pad,), jnp.int32),
            pltpu.VMEM((na_pad,), jnp.float32),
            pltpu.VMEM((8 * _NUM_BINS,), jnp.float32),
            pltpu.VMEM((_CHUNK,), jnp.float32),
            pltpu.VMEM((_CHUNK * 4,), jnp.float32),
        ],
    )
    def sc_kernel(x_hbm, lrn_hbm, base_hbm, col_hbm, act_hbm, out_hbm,
                  opac_v, cvec_v, actv_v, lrn_v, tab_v, in_v, out_v):
        iota = lax.iota(jnp.int32, _L)

        pltpu.sync_copy(base_hbm, opac_v)
        pltpu.sync_copy(col_hbm, cvec_v)
        pltpu.sync_copy(act_hbm, actv_v.at[pl.ds(0, na)])
        pltpu.sync_copy(lrn_hbm, lrn_v.at[pl.ds(0, na)])

        for i in range(0, na, _L):
            idxv = actv_v[pl.ds(i, _L)]
            valv = lrn_v[pl.ds(i, _L)]
            rem = na - i
            if rem >= _L:
                plsc.store_scatter(opac_v, [idxv], valv)
            else:
                plsc.store_scatter(opac_v, [idxv], valv, mask=iota < rem)

        for i in range(_NUM_BINS // _L):
            ilow = iota + (i * _L)
            ihigh = jnp.minimum(ilow + 1, _NUM_BINS - 1)
            o_lo = opac_v[pl.ds(i * _L, _L)]
            o_hi = plsc.load_gather(opac_v, [ihigh])
            for c in range(3):
                cc = jnp.full((_L,), c, jnp.int32)
                v_lo = plsc.load_gather(cvec_v, [ilow, cc])
                v_hi = plsc.load_gather(cvec_v, [ihigh, cc])
                tab_v[pl.ds(c * _NUM_BINS + i * _L, _L)] = v_lo
                tab_v[pl.ds((4 + c) * _NUM_BINS + i * _L, _L)] = v_hi - v_lo
            tab_v[pl.ds(3 * _NUM_BINS + i * _L, _L)] = o_lo
            tab_v[pl.ds(7 * _NUM_BINS + i * _L, _L)] = o_hi - o_lo

        wid = lax.axis_index("s") * _NC + lax.axis_index("c")
        base = wid * per_w
        oiota4 = iota * 4

        def group_body(j, carry):
            x = in_v[pl.ds(j * _L, _L)]
            f = jnp.clip(x * 255.0, 0.0, 255.0)
            low = f.astype(jnp.int32)
            t = f - low.astype(jnp.float32)
            r = plsc.load_gather(tab_v, [low])
            g = plsc.load_gather(tab_v, [low + 256])
            b = plsc.load_gather(tab_v, [low + 512])
            o = plsc.load_gather(tab_v, [low + 768])
            dr = plsc.load_gather(tab_v, [low + 1024])
            dg = plsc.load_gather(tab_v, [low + 1280])
            db = plsc.load_gather(tab_v, [low + 1536])
            do = plsc.load_gather(tab_v, [low + 1792])
            obase = oiota4 + j * (4 * _L)
            plsc.store_scatter(out_v, [obase], r + t * dr)
            plsc.store_scatter(out_v, [obase + 1], g + t * dg)
            plsc.store_scatter(out_v, [obase + 2], b + t * db)
            plsc.store_scatter(out_v, [obase + 3], o + t * do)
            return carry

        def chunk_body(gidx, carry):
            off = base + gidx * _CHUNK
            pltpu.sync_copy(x_hbm.at[pl.ds(off, _CHUNK)], in_v)
            lax.fori_loop(0, groups, group_body, 0)
            pltpu.sync_copy(out_v, out_hbm.at[pl.ds(off * 4, _CHUNK * 4)])
            return carry

        lax.fori_loop(0, n_chunks, chunk_body, 0)

    return sc_kernel


def kernel(intensities, learnable_opacity, base_opacity_lut, color_lut,
           active_indices):
    n = intensities.shape[0]
    na = active_indices.shape[0]
    fn = _build_sc_kernel(n, na)
    out = fn(intensities, learnable_opacity, base_opacity_lut, color_lut,
             active_indices)
    return out.reshape(n, 4)

# --- scband reference (transcript-rebuilt; emitter-appended) ---
"""Pipeline reference for scband-differentiable-tf-65996467470376 (READ-ONLY COPY).

The authoritative reference and input builder live on the scoring server;
editing this copy changes nothing except your own understanding.
"""

import jax, jax.numpy as jnp
import numpy as np

NUM_BINS = 256
VMIN = 0.0
VMAX = 1.0
NODES = [[0.0, 0.0, 0.0, 0.0, 0.0], [0.25, 1.0, 0.0, 0.0, 0.2], [0.5, 0.0, 1.0, 0.0, 0.5], [0.75, 0.0, 0.0, 1.0, 0.8], [1.0, 1.0, 1.0, 1.0, 1.0]]


def _nodes_to_lut(nodes, num_bins):
    sorted_nodes = sorted(nodes, key=lambda x: x[0])
    opacity_lut = np.zeros(num_bins)
    color_lut = np.zeros((num_bins, 3))
    node_bin_indices = []
    for node in sorted_nodes:
        bin_idx = int(round(node[0] * (num_bins - 1)))
        bin_idx = int(np.clip(bin_idx, 0, num_bins - 1))
        node_bin_indices.append(bin_idx)
    for node, bin_idx in zip(sorted_nodes, node_bin_indices):
        opacity_lut[bin_idx] = node[4]
        color_lut[bin_idx] = node[1:4]
    for i in range(num_bins):
        if i in node_bin_indices:
            continue
        ni = i / (num_bins - 1)
        if ni <= sorted_nodes[0][0]:
            opacity_lut[i] = sorted_nodes[0][4]
            color_lut[i] = sorted_nodes[0][1:4]
        elif ni >= sorted_nodes[-1][0]:
            opacity_lut[i] = sorted_nodes[-1][4]
            color_lut[i] = sorted_nodes[-1][1:4]
        else:
            for j in range(len(sorted_nodes) - 1):
                a = sorted_nodes[j]
                b = sorted_nodes[j + 1]
                if a[0] <= ni <= b[0]:
                    t = (ni - a[0]) / (b[0] - a[0])
                    opacity_lut[i] = a[4] * (1 - t) + b[4] * t
                    color_lut[i, 0] = a[1] * (1 - t) + b[1] * t
                    color_lut[i, 1] = a[2] * (1 - t) + b[2] * t
                    color_lut[i, 2] = a[3] * (1 - t) + b[3] * t
                    break
    return opacity_lut, color_lut


def setup_inputs(seed: int = 0) -> dict:
    key = jax.random.key(seed)
    op, col = _nodes_to_lut(NODES, NUM_BINS)
    active = np.where(op > 1e-06)[0]
    return {
        'intensities': jax.random.uniform(key, (16777216,), dtype=jnp.float32),
        'learnable_opacity': jnp.asarray(op[active], dtype=jnp.float32),
        'base_opacity_lut': jnp.zeros((NUM_BINS,), dtype=jnp.float32),
        'color_lut': jnp.asarray(col, dtype=jnp.float32),
        'active_indices': jnp.asarray(active, dtype=jnp.int32),
    }


def reference(intensities, learnable_opacity, base_opacity_lut, color_lut, active_indices):
    # opacity_lut property: insert learnable params into full LUT
    full_lut = base_opacity_lut.at[active_indices].set(learnable_opacity)
    normalized = (intensities - VMIN) / ((VMAX - VMIN) + 1e-08)
    normalized = jnp.clip(normalized, 0.0, 1.0)
    float_indices = normalized * (NUM_BINS - 1)
    idx_low = jnp.floor(float_indices).astype(jnp.int32)
    idx_high = jnp.minimum(idx_low + 1, NUM_BINS - 1)
    idx_low = jnp.clip(idx_low, 0, NUM_BINS - 1)
    t = float_indices - idx_low.astype(jnp.float32)
    opacities = jnp.take(full_lut, idx_low) * (1 - t) + jnp.take(full_lut, idx_high) * t
    colors_low = jnp.take(color_lut, idx_low, axis=0)
    colors_high = jnp.take(color_lut, idx_high, axis=0)
    colors = colors_low * (1 - t)[..., None] + colors_high * t[..., None]
    rgba = jnp.concatenate([colors, opacities[..., None]], axis=-1)
    return rgba

if __name__ == "__main__":
    import jax
    _d = setup_inputs()
    print(jax.jit(kernel)(*tuple(_d.values())))

</pallas_src>

<mosaic_0001>
#map = affine_map<(d0, d1) -> (0)>
#map1 = affine_map<(d0, d1) -> (0, 0)>
module attributes {stable_mosaic.version = 14 : i64} {
  func.func @sc_kernel(%arg0: i32, %arg1: i32, %arg2: memref<16777216xf32, #tpu.memory_space<hbm>>, %arg3: memref<255xf32, #tpu.memory_space<hbm>>, %arg4: memref<256xf32, #tpu.memory_space<hbm>>, %arg5: memref<256x3xf32, #tpu.memory_space<hbm>>, %arg6: memref<255xi32, #tpu.memory_space<hbm>>, %arg7: memref<67108864xf32, #tpu.memory_space<hbm>>, %arg8: memref<256xf32, #tpu.memory_space<vmem>>, %arg9: memref<256x3xf32, #tpu.memory_space<vmem>>, %arg10: memref<256xi32, #tpu.memory_space<vmem>>, %arg11: memref<256xf32, #tpu.memory_space<vmem>>, %arg12: memref<2048xf32, #tpu.memory_space<vmem>>, %arg13: memref<4096xf32, #tpu.memory_space<vmem>>, %arg14: memref<16384xf32, #tpu.memory_space<vmem>>) attributes {dimension_semantics = [#tpu.dimension_semantics<core_parallel>, #tpu.dimension_semantics<subcore_parallel>], iteration_bounds = array<i64: 2, 16>, scalar_prefetch = 0 : i64, scratch_operands = 7 : i64, tpu.core_type = #tpu.core_type<sc_vector_subcore>, window_params = [{transform_indices = #map}, {transform_indices = #map}, {transform_indices = #map}, {transform_indices = #map1}, {transform_indices = #map}, {transform_indices = #map}]} {
    %iota3A = tpu.iota {dimensions = array<i32: 0>} : vector<16xi32>
    "tpu.region"() ({
      %run_scoped3A = tpu.sem_alloc : memref<!tpu.dma_semaphore, #tpu.memory_space<semaphore_mem>>
      tpu.enqueue_dma source(%arg4 : memref<256xf32, #tpu.memory_space<hbm>>) target(%arg8 : memref<256xf32, #tpu.memory_space<vmem>>) target_semaphore(%run_scoped3A : memref<!tpu.dma_semaphore, #tpu.memory_space<semaphore_mem>>)
      tpu.wait_dma2 semaphore(%run_scoped3A : memref<!tpu.dma_semaphore, #tpu.memory_space<semaphore_mem>>) src(%arg4 : memref<256xf32, #tpu.memory_space<hbm>>) dst(%arg8 : memref<256xf32, #tpu.memory_space<vmem>>)
      tpu.yield
    }) : () -> ()
    "tpu.region"() ({
      %run_scoped3A = tpu.sem_alloc : memref<!tpu.dma_semaphore, #tpu.memory_space<semaphore_mem>>
      tpu.enqueue_dma source(%arg5 : memref<256x3xf32, #tpu.memory_space<hbm>>) target(%arg9 : memref<256x3xf32, #tpu.memory_space<vmem>>) target_semaphore(%run_scoped3A : memref<!tpu.dma_semaphore, #tpu.memory_space<semaphore_mem>>)
      tpu.wait_dma2 semaphore(%run_scoped3A : memref<!tpu.dma_semaphore, #tpu.memory_space<semaphore_mem>>) src(%arg5 : memref<256x3xf32, #tpu.memory_space<hbm>>) dst(%arg9 : memref<256x3xf32, #tpu.memory_space<vmem>>)
      tpu.yield
    }) : () -> ()
    "tpu.region"() ({
      %run_scoped3A = tpu.sem_alloc : memref<!tpu.dma_semaphore, #tpu.memory_space<semaphore_mem>>
      %dma_start3A = arith.constant 0 : i32
      %dma_start3A_775 = tpu.memref_slice %arg10[%dma_start3A] : memref<256xi32, #tpu.memory_space<vmem>> -> memref<255xi32, #tpu.memory_space<vmem>>
      %dma_start3A_776 = arith.constant 0 : i32
      %dma_start3A_777 = tpu.memref_slice %arg10[%dma_start3A_776] : memref<256xi32, #tpu.memory_space<vmem>> -> memref<255xi32, #tpu.memory_space<vmem>>
      tpu.enqueue_dma source(%arg6 : memref<255xi32, #tpu.memory_space<hbm>>) target(%dma_start3A_777 : memref<255xi32, #tpu.memory_space<vmem>>) target_semaphore(%run_scoped3A : memref<!tpu.dma_semaphore, #tpu.memory_space<semaphore_mem>>)
      %dma_wait3A = arith.constant 0 : i32
      %dma_wait3A_778 = tpu.memref_slice %arg10[%dma_wait3A] : memref<256xi32, #tpu.memory_space<vmem>> -> memref<255xi32, #tpu.memory_space<vmem>>
      %dma_wait3A_779 = arith.constant 0 : i32
      %dma_wait3A_780 = tpu.memref_slice %arg10[%dma_wait3A_779] : memref<256xi32, #tpu.memory_space<vmem>> -> memref<255xi32, #tpu.memory_space<vmem>>
      tpu.wait_dma2 semaphore(%run_scoped3A : memref<!tpu.dma_semaphore, #tpu.memory_space<semaphore_mem>>) src(%arg6 : memref<255xi32, #tpu.memory_space<hbm>>) dst(%dma_wait3A_780 : memref<255xi32, #tpu.memory_space<vmem>>)
      tpu.yield
    }) : () -> ()
    "tpu.region"() ({
      %run_scoped3A = tpu.sem_alloc : memref<!tpu.dma_semaphore, #tpu.memory_space<semaphore_mem>>
      %dma_start3A = arith.constant 0 : i32
      %dma_start3A_775 = tpu.memref_slice %arg11[%dma_start3A] : memref<256xf32, #tpu.memory_space<vmem>> -> memref<255xf32, #tpu.memory_space<vmem>>
      %dma_start3A_776 = arith.constant 0 : i32
      %dma_start3A_777 = tpu.memref_slice %arg11[%dma_start3A_776] : memref<256xf32, #tpu.memory_space<vmem>> -> memref<255xf32, #tpu.memory_space<vmem>>
      tpu.enqueue_dma source(%arg3 : memref<255xf32, #tpu.memory_space<hbm>>) target(%dma_start3A_777 : memref<255xf32, #tpu.memory_space<vmem>>) target_semaphore(%run_scoped3A : memref<!tpu.dma_semaphore, #tpu.memory_space<semaphore_mem>>)
      %dma_wait3A = arith.constant 0 : i32
      %dma_wait3A_778 = tpu.memref_slice %arg11[%dma_wait3A] : memref<256xf32, #tpu.memory_space<vmem>> -> memref<255xf32, #tpu.memory_space<vmem>>
      %dma_wait3A_779 = arith.constant 0 : i32
      %dma_wait3A_780 = tpu.memref_slice %arg11[%dma_wait3A_779] : memref<256xf32, #tpu.memory_space<vmem>> -> memref<255xf32, #tpu.memory_space<vmem>>
      tpu.wait_dma2 semaphore(%run_scoped3A : memref<!tpu.dma_semaphore, #tpu.memory_space<semaphore_mem>>) src(%arg3 : memref<255xf32, #tpu.memory_space<hbm>>) dst(%dma_wait3A_780 : memref<255xf32, #tpu.memory_space<vmem>>)
      tpu.yield
    }) : () -> ()
    %get3A = arith.constant 0 : index
    %get3A_0 = tpu.vector_load %arg10[%get3A] {strides = array<i32>} : memref<256xi32, #tpu.memory_space<vmem>>, vector<16xi32>,
    %get3A_1 = arith.constant 0 : index
    %get3A_2 = tpu.vector_load %arg11[%get3A_1] {strides = array<i32>} : memref<256xf32, #tpu.memory_space<vmem>>, vector<16xf32>,
    tpu.vector_store_idx %arg8[%get3A_0], %get3A_2 : memref<256xf32, #tpu.memory_space<vmem>>[vector<16xi32>], vector<16xf32>,
    %get3A_3 = arith.constant 16 : index
    %get3A_4 = tpu.vector_load %arg10[%get3A_3] {strides = array<i32>} : memref<256xi32, #tpu.memory_space<vmem>>, vector<16xi32>,
    %get3A_5 = arith.constant 16 : index
    %get3A_6 = tpu.vector_load %arg11[%get3A_5] {strides = array<i32>} : memref<256xf32, #tpu.memory_space<vmem>>, vector<16xf32>,
    tpu.vector_store_idx %arg8[%get3A_4], %get3A_6 : memref<256xf32, #tpu.memory_space<vmem>>[vector<16xi32>], vector<16xf32>,
    %get3A_7 = arith.constant 32 : index
    %get3A_8 = tpu.vector_load %arg10[%get3A_7] {strides = array<i32>} : memref<256xi32, #tpu.memory_space<vmem>>, vector<16xi32>,
    %get3A_9 = arith.constant 32 : index
    %get3A_10 = tpu.vector_load %arg11[%get3A_9] {strides = array<i32>} : memref<256xf32, #tpu.memory_space<vmem>>, vector<16xf32>,
    tpu.vector_store_idx %arg8[%get3A_8], %get3A_10 : memref<256xf32, #tpu.memory_space<vmem>>[vector<16xi32>], vector<16xf32>,
    %get3A_11 = arith.constant 48 : index
    %get3A_12 = tpu.vector_load %arg10[%get3A_11] {strides = array<i32>} : memref<256xi32, #tpu.memory_space<vmem>>, vector<16xi32>,
    %get3A_13 = arith.constant 48 : index
    %get3A_14 = tpu.vector_load %arg11[%get3A_13] {strides = array<i32>} : memref<256xf32, #tpu.memory_space<vmem>>, vector<16xf32>,
    tpu.vector_store_idx %arg8[%get3A_12], %get3A_14 : memref<256xf32, #tpu.memory_space<vmem>>[vector<16xi32>], vector<16xf32>,
    %get3A_15 = arith.constant 64 : index
    %get3A_16 = tpu.vector_load %arg10[%get3A_15] {strides = array<i32>} : memref<256xi32, #tpu.memory_space<vmem>>, vector<16xi32>,
    %get3A_17 = arith.constant 64 : index
    %get3A_18 = tpu.vector_load %arg11[%get3A_17] {strides = array<i32>} : memref<256xf32, #tpu.memory_space<vmem>>, vector<16xf32>,
    tpu.vector_store_idx %arg8[%get3A_16], %get3A_18 : memref<256xf32, #tpu.memory_space<vmem>>[vector<16xi32>], vector<16xf32>,
    %get3A_19 = arith.constant 80 : index
    %get3A_20 = tpu.vector_load %arg10[%get3A_19] {strides = array<i32>} : memref<256xi32, #tpu.memory_space<vmem>>, vector<16xi32>,
    %get3A_21 = arith.constant 80 : index
    %get3A_22 = tpu.vector_load %arg11[%get3A_21] {strides = array<i32>} : memref<256xf32, #tpu.memory_space<vmem>>, vector<16xf32>,
    tpu.vector_store_idx %arg8[%get3A_20], %get3A_22 : memref<256xf32, #tpu.memory_space<vmem>>[vector<16xi32>], vector<16xf32>,
    %get3A_23 = arith.constant 96 : index
    %get3A_24 = tpu.vector_load %arg10[%get3A_23] {strides = array<i32>} : memref<256xi32, #tpu.memory_space<vmem>>, vector<16xi32>,
    %get3A_25 = arith.constant 96 : index
    %get3A_26 = tpu.vector_load %arg11[%get3A_25] {strides = array<i32>} : memref<256xf32, #tpu.memory_space<vmem>>, vector<16xf32>,
    tpu.vector_store_idx %arg8[%get3A_24], %get3A_26 : memref<256xf32, #tpu.memory_space<vmem>>[vector<16xi32>], vector<16xf32>,
    %get3A_27 = arith.constant 112 : index
    %get3A_28 = tpu.vector_load %arg10[%get3A_27] {strides = array<i32>} : memref<256xi32, #tpu.memory_space<vmem>>, vector<16xi32>,
    %get3A_29 = arith.constant 112 : index
    %get3A_30 = tpu.vector_load %arg11[%get3A_29] {strides = array<i32>} : memref<256xf32, #tpu.memory_space<vmem>>, vector<16xf32>,
    tpu.vector_store_idx %arg8[%get3A_28], %get3A_30 : memref<256xf32, #tpu.memory_space<vmem>>[vector<16xi32>], vector<16xf32>,
    %get3A_31 = arith.constant 128 : index
    %get3A_32 = tpu.vector_load %arg10[%get3A_31] {strides = array<i32>} : memref<256xi32, #tpu.memory_space<vmem>>, vector<16xi32>,
    %get3A_33 = arith.constant 128 : index
    %get3A_34 = tpu.vector_load %arg11[%get3A_33] {strides = array<i32>} : memref<256xf32, #tpu.memory_space<vmem>>, vector<16xf32>,
    tpu.vector_store_idx %arg8[%get3A_32], %get3A_34 : memref<256xf32, #tpu.memory_space<vmem>>[vector<16xi32>], vector<16xf32>,
    %get3A_35 = arith.constant 144 : index
    %get3A_36 = tpu.vector_load %arg10[%get3A_35] {strides = array<i32>} : memref<256xi32, #tpu.memory_space<vmem>>, vector<16xi32>,
    %get3A_37 = arith.constant 144 : index
    %get3A_38 = tpu.vector_load %arg11[%get3A_37] {strides = array<i32>} : memref<256xf32, #tpu.memory_space<vmem>>, vector<16xf32>,
    tpu.vector_store_idx %arg8[%get3A_36], %get3A_38 : memref<256xf32, #tpu.memory_space<vmem>>[vector<16xi32>], vector<16xf32>,
    %get3A_39 = arith.constant 160 : index
    %get3A_40 = tpu.vector_load %arg10[%get3A_39] {strides = array<i32>} : memref<256xi32, #tpu.memory_space<vmem>>, vector<16xi32>,
    %get3A_41 = arith.constant 160 : index
    %get3A_42 = tpu.vector_load %arg11[%get3A_41] {strides = array<i32>} : memref<256xf32, #tpu.memory_space<vmem>>, vector<16xf32>,
    tpu.vector_store_idx %arg8[%get3A_40], %get3A_42 : memref<256xf32, #tpu.memory_space<vmem>>[vector<16xi32>], vector<16xf32>,
    %get3A_43 = arith.constant 176 : index
    %get3A_44 = tpu.vector_load %arg10[%get3A_43] {strides = array<i32>} : memref<256xi32, #tpu.memory_space<vmem>>, vector<16xi32>,
    %get3A_45 = arith.constant 176 : index
    %get3A_46 = tpu.vector_load %arg11[%get3A_45] {strides = array<i32>} : memref<256xf32, #tpu.memory_space<vmem>>, vector<16xf32>,
    tpu.vector_store_idx %arg8[%get3A_44], %get3A_46 : memref<256xf32, #tpu.memory_space<vmem>>[vector<16xi32>], vector<16xf32>,
    %get3A_47 = arith.constant 192 : index
    %get3A_48 = tpu.vector_load %arg10[%get3A_47] {strides = array<i32>} : memref<256xi32, #tpu.memory_space<vmem>>, vector<16xi32>,
    %get3A_49 = arith.constant 192 : index
    %get3A_50 = tpu.vector_load %arg11[%get3A_49] {strides = array<i32>} : memref<256xf32, #tpu.memory_space<vmem>>, vector<16xf32>,
    tpu.vector_store_idx %arg8[%get3A_48], %get3A_50 : memref<256xf32, #tpu.memory_space<vmem>>[vector<16xi32>], vector<16xf32>,
    %get3A_51 = arith.constant 208 : index
    %get3A_52 = tpu.vector_load %arg10[%get3A_51] {strides = array<i32>} : memref<256xi32, #tpu.memory_space<vmem>>, vector<16xi32>,
    %get3A_53 = arith.constant 208 : index
    %get3A_54 = tpu.vector_load %arg11[%get3A_53] {strides = array<i32>} : memref<256xf32, #tpu.memory_space<vmem>>, vector<16xf32>,
    tpu.vector_store_idx %arg8[%get3A_52], %get3A_54 : memref<256xf32, #tpu.memory_space<vmem>>[vector<16xi32>], vector<16xf32>,
    %get3A_55 = arith.constant 224 : index
    %get3A_56 = tpu.vector_load %arg10[%get3A_55] {strides = array<i32>} : memref<256xi32, #tpu.memory_space<vmem>>, vector<16xi32>,
    %get3A_57 = arith.constant 224 : index
    %get3A_58 = tpu.vector_load %arg11[%get3A_57] {strides = array<i32>} : memref<256xf32, #tpu.memory_space<vmem>>, vector<16xf32>,
    tpu.vector_store_idx %arg8[%get3A_56], %get3A_58 : memref<256xf32, #tpu.memory_space<vmem>>[vector<16xi32>], vector<16xf32>,
    %get3A_59 = arith.constant 240 : index
    %get3A_60 = tpu.vector_load %arg10[%get3A_59] {strides = array<i32>} : memref<256xi32, #tpu.memory_space<vmem>>, vector<16xi32>,
    %get3A_61 = arith.constant 240 : index
    %get3A_62 = tpu.vector_load %arg11[%get3A_61] {strides = array<i32>} : memref<256xf32, #tpu.memory_space<vmem>>, vector<16xf32>,
    %lt3A = arith.constant 15 : i32
    %lt3A_63 = vector.broadcast %lt3A : i32 to vector<16xi32>
    %lt3A_64 = arith.cmpi slt, %iota3A, %lt3A_63 : vector<16xi32>
    tpu.vector_store_idx %arg8[%get3A_60], %get3A_62 masked %lt3A_64 : memref<256xf32, #tpu.memory_space<vmem>>[vector<16xi32>], vector<16xf32>, vector<16xi1>
    %add3A = arith.constant 0 : i32
    %add3A_65 = vector.broadcast %add3A : i32 to vector<16xi32>
    %add3A_66 = arith.addi %iota3A, %add3A_65 : vector<16xi32>
    %add3A_67 = arith.constant 1 : i32
    %add3A_68 = vector.broadcast %add3A_67 : i32 to vector<16xi32>
    %add3A_69 = arith.addi %add3A_66, %add3A_68 : vector<16xi32>
    %min3A = arith.constant 255 : i32
    %min3A_70 = vector.broadcast %min3A : i32 to vector<16xi32>
    %min3A_71 = arith.minsi %add3A_69, %min3A_70 : vector<16xi32>
    %get3A_72 = arith.constant 0 : index
    %get3A_73 = tpu.vector_load %arg8[%get3A_72] {strides = array<i32>} : memref<256xf32, #tpu.memory_space<vmem>>, vector<16xf32>,
    %gather3A = tpu.vector_load_idx %arg8[%min3A_71] : memref<256xf32, #tpu.memory_space<vmem>>[vector<16xi32>], vector<16xf32>,
    %broadcast_in_dim3A = arith.constant 0 : i32
    %broadcast_in_dim3A_74 = vector.broadcast %broadcast_in_dim3A : i32 to vector<16xi32>
    %gather3A_75 = tpu.vector_load_idx %arg9[%add3A_66, %broadcast_in_dim3A_74] : memref<256x3xf32, #tpu.memory_space<vmem>>[vector<16xi32>, vector<16xi32>], vector<16xf32>,
    %gather3A_76 = tpu.vector_load_idx %arg9[%min3A_71, %broadcast_in_dim3A_74] : memref<256x3xf32, #tpu.memory_space<vmem>>[vector<16xi32>, vector<16xi32>], vector<16xf32>,
    %swap3A = arith.constant 0 : index
    %swap3A_77 = tpu.vector_load %arg12[%swap3A] {strides = array<i32>} : memref<2048xf32, #tpu.memory_space<vmem>>, vector<16xf32>,
    tpu.vector_store %arg12[%swap3A], %gather3A_75 {strides = array<i32>} : memref<2048xf32, #tpu.memory_space<vmem>>, vector<16xf32>,
    %sub3A = arith.subf %gather3A_76, %gather3A_75 : vector<16xf32>
    %swap3A_78 = arith.constant 1024 : index
    %swap3A_79 = tpu.vector_load %arg12[%swap3A_78] {strides = array<i32>} : memref<2048xf32, #tpu.memory_space<vmem>>, vector<16xf32>,
    tpu.vector_store %arg12[%swap3A_78], %sub3A {strides = array<i32>} : memref<2048xf32, #tpu.memory_space<vmem>>, vector<16xf32>,
    %broadcast_in_dim3A_80 = arith.constant 1 : i32
    %broadcast_in_dim3A_81 = vector.broadcast %broadcast_in_dim3A_80 : i32 to vector<16xi32>
    %gather3A_82 = tpu.vector_load_idx %arg9[%add3A_66, %broadcast_in_dim3A_81] : memref<256x3xf32, #tpu.memory_space<vmem>>[vector<16xi32>, vector<16xi32>], vector<16xf32>,
    %gather3A_83 = tpu.vector_load_idx %arg9[%min3A_71, %broadcast_in_dim3A_81] : memref<256x3xf32, #tpu.memory_space<vmem>>[vector<16xi32>, vector<16xi32>], vector<16xf32>,
    %swap3A_84 = arith.constant 256 : index
    %swap3A_85 = tpu.vector_load %arg12[%swap3A_84] {strides = array<i32>} : memref<2048xf32, #tpu.memory_space<vmem>>, vector<16xf32>,
    tpu.vector_store %arg12[%swap3A_84], %gather3A_82 {strides = array<i32>} : memref<2048xf32, #tpu.memory_space<vmem>>, vector<16xf32>,
    %sub3A_86 = arith.subf %gather3A_83, %gather3A_82 : vector<16xf32>
    %swap3A_87 = arith.constant 1280 : index
    %swap3A_88 = tpu.vector_load %arg12[%swap3A_87] {strides = array<i32>} : memref<2048xf32, #tpu.memory_space<vmem>>, vector<16xf32>,
    tpu.vector_store %arg12[%swap3A_87], %sub3A_86 {strides = array<i32>} : memref<2048xf32, #tpu.memory_space<vmem>>, vector<16xf32>,
    %broadcast_in_dim3A_89 = arith.constant 2 : i32
    %broadcast_in_dim3A_90 = vector.broadcast %broadcast_in_dim3A_89 : i32 to vector<16xi32>
    %gather3A_91 = tpu.vector_load_idx %arg9[%add3A_66, %broadcast_in_dim3A_90] : memref<256x3xf32, #tpu.memory_space<vmem>>[vector<16xi32>, vector<16xi32>], vector<16xf32>,
    %gather3A_92 = tpu.vector_load_idx %arg9[%min3A_71, %broadcast_in_dim3A_90] : memref<256x3xf32, #tpu.memory_space<vmem>>[vector<16xi32>, vector<16xi32>], vector<16xf32>,
    %swap3A_93 = arith.constant 512 : index
    %swap3A_94 = tpu.vector_load %arg12[%swap3A_93] {strides = array<i32>} : memref<2048xf32, #tpu.memory_space<vmem>>, vector<16xf32>,
    tpu.vector_store %arg12[%swap3A_93], %gather3A_91 {strides = array<i32>} : memref<2048xf32, #tpu.memory_space<vmem>>, vector<16xf32>,
    %sub3A_95 = arith.subf %gather3A_92, %gather3A_91 : vector<16xf32>
    %swap3A_96 = arith.constant 1536 : index
    %swap3A_97 = tpu.vector_load %arg12[%swap3A_96] {strides = array<i32>} : memref<2048xf32, #tpu.memory_space<vmem>>, vector<16xf32>,
    tpu.vector_store %arg12[%swap3A_96], %sub3A_95 {strides = array<i32>} : memref<2048xf32, #tpu.memory_space<vmem>>, vector<16xf32>,
    %swap3A_98 = arith.constant 768 : index
    %swap3A_99 = tpu.vector_load %arg12[%swap3A_98] {strides = array<i32>} : memref<2048xf32, #tpu.memory_space<vmem>>, vector<16xf32>,
    tpu.vector_store %arg12[%swap3A_98], %get3A_73 {strides = array<i32>} : memref<2048xf32, #tpu.memory_space<vmem>>, vector<16xf32>,
    %sub3A_100 = arith.subf %gather3A, %get3A_73 : vector<16xf32>
    %swap3A_101 = arith.constant 1792 : index
    %swap3A_102 = tpu.vector_load %arg12[%swap3A_101] {strides = array<i32>} : memref<2048xf32, #tpu.memory_space<vmem>>, vector<16xf32>,
    tpu.vector_store %arg12[%swap3A_101], %sub3A_100 {strides = array<i32>} : memref<2048xf32, #tpu.memory_space<vmem>>, vector<16xf32>,
    %add3A_103 = arith.constant 16 : i32
    %add3A_104 = vector.broadcast %add3A_103 : i32 to vector<16xi32>
    %add3A_105 = arith.addi %iota3A, %add3A_104 : vector<16xi32>
    %add3A_106 = arith.constant 1 : i32
    %add3A_107 = vector.broadcast %add3A_106 : i32 to vector<16xi32>
    %add3A_108 = arith.addi %add3A_105, %add3A_107 : vector<16xi32>
    %min3A_109 = arith.constant 255 : i32
    %min3A_110 = vector.broadcast %min3A_109 : i32 to vector<16xi32>
    %min3A_111 = arith.minsi %add3A_108, %min3A_110 : vector<16xi32>
    %get3A_112 = arith.constant 16 : index
    %get3A_113 = tpu.vector_load %arg8[%get3A_112] {strides = array<i32>} : memref<256xf32, #tpu.memory_space<vmem>>, vector<16xf32>,
    %gather3A_114 = tpu.vector_load_idx %arg8[%min3A_111] : memref<256xf32, #tpu.memory_space<vmem>>[vector<16xi32>], vector<16xf32>,
    %broadcast_in_dim3A_115 = arith.constant 0 : i32
    %broadcast_in_dim3A_116 = vector.broadcast %broadcast_in_dim3A_115 : i32 to vector<16xi32>
    %gather3A_117 = tpu.vector_load_idx %arg9[%add3A_105, %broadcast_in_dim3A_116] : memref<256x3xf32, #tpu.memory_space<vmem>>[vector<16xi32>, vector<16xi32>], vector<16xf32>,
    %gather3A_118 = tpu.vector_load_idx %arg9[%min3A_111, %broadcast_in_dim3A_116] : memref<256x3xf32, #tpu.memory_space<vmem>>[vector<16xi32>, vector<16xi32>], vector<16xf32>,
    %swap3A_119 = arith.constant 16 : index
    %swap3A_120 = tpu.vector_load %arg12[%swap3A_119] {strides = array<i32>} : memref<2048xf32, #tpu.memory_space<vmem>>, vector<16xf32>,
    tpu.vector_store %arg12[%swap3A_119], %gather3A_117 {strides = array<i32>} : memref<2048xf32, #tpu.memory_space<vmem>>, vector<16xf32>,
    %sub3A_121 = arith.subf %gather3A_118, %gather3A_117 : vector<16xf32>
    %swap3A_122 = arith.constant 1040 : index
    %swap3A_123 = tpu.vector_load %arg12[%swap3A_122] {strides = array<i32>} : memref<2048xf32, #tpu.memory_space<vmem>>, vector<16xf32>,
    tpu.vector_store %arg12[%swap3A_122], %sub3A_121 {strides = array<i32>} : memref<2048xf32, #tpu.memory_space<vmem>>, vector<16xf32>,
    %broadcast_in_dim3A_124 = arith.constant 1 : i32
    %broadcast_in_dim3A_125 = vector.broadcast %broadcast_in_dim3A_124 : i32 to vector<16xi32>
    %gather3A_126 = tpu.vector_load_idx %arg9[%add3A_105, %broadcast_in_dim3A_125] : memref<256x3xf32, #tpu.memory_space<vmem>>[vector<16xi32>, vector<16xi32>], vector<16xf32>,
    %gather3A_127 = tpu.vector_load_idx %arg9[%min3A_111, %broadcast_in_dim3A_125] : memref<256x3xf32, #tpu.memory_space<vmem>>[vector<16xi32>, vector<16xi32>], vector<16xf32>,
    %swap3A_128 = arith.constant 272 : index
    %swap3A_129 = tpu.vector_load %arg12[%swap3A_128] {strides = array<i32>} : memref<2048xf32, #tpu.memory_space<vmem>>, vector<16xf32>,
    tpu.vector_store %arg12[%swap3A_128], %gather3A_126 {strides = array<i32>} : memref<2048xf32, #tpu.memory_space<vmem>>, vector<16xf32>,
    %sub3A_130 = arith.subf %gather3A_127, %gather3A_126 : vector<16xf32>
    %swap3A_131 = arith.constant 1296 : index
    %swap3A_132 = tpu.vector_load %arg12[%swap3A_131] {strides = array<i32>} : memref<2048xf32, #tpu.memory_space<vmem>>, vector<16xf32>,
    tpu.vector_store %arg12[%swap3A_131], %sub3A_130 {strides = array<i32>} : memref<2048xf32, #tpu.memory_space<vmem>>, vector<16xf32>,
    %broadcast_in_dim3A_133 = arith.constant 2 : i32
    %broadcast_in_dim3A_134 = vector.broadcast %broadcast_in_dim3A_133 : i32 to vector<16xi32>
    %gather3A_135 = tpu.vector_load_idx %arg9[%add3A_105, %broadcast_in_dim3A_134] : memref<256x3xf32, #tpu.memory_space<vmem>>[vector<16xi32>, vector<16xi32>], vector<16xf32>,
    %gather3A_136 = tpu.vector_load_idx %arg9[%min3A_111, %broadcast_in_dim3A_134] : memref<256x3xf32, #tpu.memory_space<vmem>>[vector<16xi32>, vector<16xi32>], vector<16xf32>,
    %swap3A_137 = arith.constant 528 : index
    %swap3A_138 = tpu.vector_load %arg12[%swap3A_137] {strides = array<i32>} : memref<2048xf32, #tpu.memory_space<vmem>>, vector<16xf32>,
    tpu.vector_store %arg12[%swap3A_137], %gather3A_135 {strides = array<i32>} : memref<2048xf32, #tpu.memory_space<vmem>>, vector<16xf32>,
    %sub3A_139 = arith.subf %gather3A_136, %gather3A_135 : vector<16xf32>
    %swap3A_140 = arith.constant 1552 : index
    %swap3A_141 = tpu.vector_load %arg12[%swap3A_140] {strides = array<i32>} : memref<2048xf32, #tpu.memory_space<vmem>>, vector<16xf32>,
    tpu.vector_store %arg12[%swap3A_140], %sub3A_139 {strides = array<i32>} : memref<2048xf32, #tpu.memory_space<vmem>>, vector<16xf32>,
    %swap3A_142 = arith.constant 784 : index
    %swap3A_143 = tpu.vector_load %arg12[%swap3A_142] {strides = array<i32>} : memref<2048xf32, #tpu.memory_space<vmem>>, vector<16xf32>,
    tpu.vector_store %arg12[%swap3A_142], %get3A_113 {strides = array<i32>} : memref<2048xf32, #tpu.memory_space<vmem>>, vector<16xf32>,
    %sub3A_144 = arith.subf %gather3A_114, %get3A_113 : vector<16xf32>
    %swap3A_145 = arith.constant 1808 : index
    %swap3A_146 = tpu.vector_load %arg12[%swap3A_145] {strides = array<i32>} : memref<2048xf32, #tpu.memory_space<vmem>>, vector<16xf32>,
    tpu.vector_store %arg12[%swap3A_145], %sub3A_144 {strides = array<i32>} : memref<2048xf32, #tpu.memory_space<vmem>>, vector<16xf32>,
    %add3A_147 = arith.constant 32 : i32
    %add3A_148 = vector.broadcast %add3A_147 : i32 to vector<16xi32>
    %add3A_149 = arith.addi %iota3A, %add3A_148 : vector<16xi32>
    %add3A_150 = arith.constant 1 : i32
    %add3A_151 = vector.broadcast %add3A_150 : i32 to vector<16xi32>
    %add3A_152 = arith.addi %add3A_149, %add3A_151 : vector<16xi32>
    %min3A_153 = arith.constant 255 : i32
    %min3A_154 = vector.broadcast %min3A_153 : i32 to vector<16xi32>
    %min3A_155 = arith.minsi %add3A_152, %min3A_154 : vector<16xi32>
    %get3A_156 = arith.constant 32 : index
    %get3A_157 = tpu.vector_load %arg8[%get3A_156] {strides = array<i32>} : memref<256xf32, #tpu.memory_space<vmem>>, vector<16xf32>,
    %gather3A_158 = tpu.vector_load_idx %arg8[%min3A_155] : memref<256xf32, #tpu.memory_space<vmem>>[vector<16xi32>], vector<16xf32>,
    %broadcast_in_dim3A_159 = arith.constant 0 : i32
    %broadcast_in_dim3A_160 = vector.broadcast %broadcast_in_dim3A_159 : i32 to vector<16xi32>
    %gather3A_161 = tpu.vector_load_idx %arg9[%add3A_149, %broadcast_in_dim3A_160] : memref<256x3xf32, #tpu.memory_space<vmem>>[vector<16xi32>, vector<16xi32>], vector<16xf32>,
    %gather3A_162 = tpu.vector_load_idx %arg9[%min3A_155, %broadcast_in_dim3A_160] : memref<256x3xf32, #tpu.memory_space<vmem>>[vector<16xi32>, vector<16xi32>], vector<16xf32>,
    %swap3A_163 = arith.constant 32 : index
    %swap3A_164 = tpu.vector_load %arg12[%swap3A_163] {strides = array<i32>} : memref<2048xf32, #tpu.memory_space<vmem>>, vector<16xf32>,
    tpu.vector_store %arg12[%swap3A_163], %gather3A_161 {strides = array<i32>} : memref<2048xf32, #tpu.memory_space<vmem>>, vector<16xf32>,
    %sub3A_165 = arith.subf %gather3A_162, %gather3A_161 : vector<16xf32>
    %swap3A_166 = arith.constant 1056 : index
    %swap3A_167 = tpu.vector_load %arg12[%swap3A_166] {strides = array<i32>} : memref<2048xf32, #tpu.memory_space<vmem>>, vector<16xf32>,
    tpu.vector_store %arg12[%swap3A_166], %sub3A_165 {strides = array<i32>} : memref<2048xf32, #tpu.memory_space<vmem>>, vector<16xf32>,
    %broadcast_in_dim3A_168 = arith.constant 1 : i32
    %broadcast_in_dim3A_169 = vector.broadcast %broadcast_in_dim3A_168 : i32 to vector<16xi32>
    %gather3A_170 = tpu.vector_load_idx %arg9[%add3A_149, %broadcast_in_dim3A_169] : memref<256x3xf32, #tpu.memory_space<vmem>>[vector<16xi32>, vector<16xi32>], vector<16xf32>,
    %gather3A_171 = tpu.vector_load_idx %arg9[%min3A_155, %broadcast_in_dim3A_169] : memref<256x3xf32, #tpu.memory_space<vmem>>[vector<16xi32>, vector<16xi32>], vector<16xf32>,
    %swap3A_172 = arith.constant 288 : index
    %swap3A_173 = tpu.vector_load %arg12[%swap3A_172] {strides = array<i32>} : memref<2048xf32, #tpu.memory_space<vmem>>, vector<16xf32>,
    tpu.vector_store %arg12[%swap3A_172], %gather3A_170 {strides = array<i32>} : memref<2048xf32, #tpu.memory_space<vmem>>, vector<16xf32>,
    %sub3A_174 = arith.subf %gather3A_171, %gather3A_170 : vector<16xf32>
    %swap3A_175 = arith.constant 1312 : index
    %swap3A_176 = tpu.vector_load %arg12[%swap3A_175] {strides = array<i32>} : memref<2048xf32, #tpu.memory_space<vmem>>, vector<16xf32>,
    tpu.vector_store %arg12[%swap3A_175], %sub3A_174 {strides = array<i32>} : memref<2048xf32, #tpu.memory_space<vmem>>, vector<16xf32>,
    %broadcast_in_dim3A_177 = arith.constant 2 : i32
    %broadcast_in_dim3A_178 = vector.broadcast %broadcast_in_dim3A_177 : i32 to vector<16xi32>
    %gather3A_179 = tpu.vector_load_idx %arg9[%add3A_149, %broadcast_in_dim3A_178] : memref<256x3xf32, #tpu.memory_space<vmem>>[vector<16xi32>, vector<16xi32>], vector<16xf32>,
    %gather3A_180 = tpu.vector_load_idx %arg9[%min3A_155, %broadcast_in_dim3A_178] : memref<256x3xf32, #tpu.memory_space<vmem>>[vector<16xi32>, vector<16xi32>], vector<16xf32>,
    %swap3A_181 = arith.constant 544 : index
    %swap3A_182 = tpu.vector_load %arg12[%swap3A_181] {strides = array<i32>} : memref<2048xf32, #tpu.memory_space<vmem>>, vector<16xf32>,
    tpu.vector_store %arg12[%swap3A_181], %gather3A_179 {strides = array<i32>} : memref<2048xf32, #tpu.memory_space<vmem>>, vector<16xf32>,
    %sub3A_183 = arith.subf %gather3A_180, %gather3A_179 : vector<16xf32>
    %swap3A_184 = arith.constant 1568 : index
    %swap3A_185 = tpu.vector_load %arg12[%swap3A_184] {strides = array<i32>} : memref<2048xf32, #tpu.memory_space<vmem>>, vector<16xf32>,
    tpu.vector_store %arg12[%swap3A_184], %sub3A_183 {strides = array<i32>} : memref<2048xf32, #tpu.memory_space<vmem>>, vector<16xf32>,
    %swap3A_186 = arith.constant 800 : index
    %swap3A_187 = tpu.vector_load %arg12[%swap3A_186] {strides = array<i32>} : memref<2048xf32, #tpu.memory_space<vmem>>, vector<16xf32>,
    tpu.vector_store %arg12[%swap3A_186], %get3A_157 {strides = array<i32>} : memref<2048xf32, #tpu.memory_space<vmem>>, vector<16xf32>,
    %sub3A_188 = arith.subf %gather3A_158, %get3A_157 : vector<16xf32>
    %swap3A_189 = arith.constant 1824 : index
    %swap3A_190 = tpu.vector_load %arg12[%swap3A_189] {strides = array<i32>} : memref<2048xf32, #tpu.memory_space<vmem>>, vector<16xf32>,
    tpu.vector_store %arg12[%swap3A_189], %sub3A_188 {strides = array<i32>} : memref<2048xf32, #tpu.memory_space<vmem>>, vector<16xf32>,
    %add3A_191 = arith.constant 48 : i32
    %add3A_192 = vector.broadcast %add3A_191 : i32 to vector<16xi32>
    %add3A_193 = arith.addi %iota3A, %add3A_192 : vector<16xi32>
    %add3A_194 = arith.constant 1 : i32
    %add3A_195 = vector.broadcast %add3A_194 : i32 to vector<16xi32>
    %add3A_196 = arith.addi %add3A_193, %add3A_195 : vector<16xi32>
    %min3A_197 = arith.constant 255 : i32
    %min3A_198 = vector.broadcast %min3A_197 : i32 to vector<16xi32>
    %min3A_199 = arith.minsi %add3A_196, %min3A_198 : vector<16xi32>
    %get3A_200 = arith.constant 48 : index
    %get3A_201 = tpu.vector_load %arg8[%get3A_200] {strides = array<i32>} : memref<256xf32, #tpu.memory_space<vmem>>, vector<16xf32>,
    %gather3A_202 = tpu.vector_load_idx %arg8[%min3A_199] : memref<256xf32, #tpu.memory_space<vmem>>[vector<16xi32>], vector<16xf32>,
    %broadcast_in_dim3A_203 = arith.constant 0 : i32
    %broadcast_in_dim3A_204 = vector.broadcast %broadcast_in_dim3A_203 : i32 to vector<16xi32>
    %gather3A_205 = tpu.vector_load_idx %arg9[%add3A_193, %broadcast_in_dim3A_204] : memref<256x3xf32, #tpu.memory_space<vmem>>[vector<16xi32>, vector<16xi32>], vector<16xf32>,
    %gather3A_206 = tpu.vector_load_idx %arg9[%min3A_199, %broadcast_in_dim3A_204] : memref<256x3xf32, #tpu.memory_space<vmem>>[vector<16xi32>, vector<16xi32>], vector<16xf32>,
    %swap3A_207 = arith.constant 48 : index
    %swap3A_208 = tpu.vector_load %arg12[%swap3A_207] {strides = array<i32>} : memref<2048xf32, #tpu.memory_space<vmem>>, vector<16xf32>,
    tpu.vector_store %arg12[%swap3A_207], %gather3A_205 {strides = array<i32>} : memref<2048xf32, #tpu.memory_space<vmem>>, vector<16xf32>,
    %sub3A_209 = arith.subf %gather3A_206, %gather3A_205 : vector<16xf32>
    %swap3A_210 = arith.constant 1072 : index
    %swap3A_211 = tpu.vector_load %arg12[%swap3A_210] {strides = array<i32>} : memref<2048xf32, #tpu.memory_space<vmem>>, vector<16xf32>,
    tpu.vector_store %arg12[%swap3A_210], %sub3A_209 {strides = array<i32>} : memref<2048xf32, #tpu.memory_space<vmem>>, vector<16xf32>,
    %broadcast_in_dim3A_212 = arith.constant 1 : i32
    %broadcast_in_dim3A_213 = vector.broadcast %broadcast_in_dim3A_212 : i32 to vector<16xi32>
    %gather3A_214 = tpu.vector_load_idx %arg9[%add3A_193, %broadcast_in_dim3A_213] : memref<256x3xf32, #tpu.memory_space<vmem>>[vector<16xi32>, vector<16xi32>], vector<16xf32>,
    %gather3A_215 = tpu.vector_load_idx %arg9[%min3A_199, %broadcast_in_dim3A_213] : memref<256x3xf32, #tpu.memory_space<vmem>>[vector<16xi32>, vector<16xi32>], vector<16xf32>,
    %swap3A_216 = arith.constant 304 : index
    %swap3A_217 = tpu.vector_load %arg12[%swap3A_216] {strides = array<i32>} : memref<2048xf32, #tpu.memory_space<vmem>>, vector<16xf32>,
    tpu.vector_store %arg12[%swap3A_216], %gather3A_214 {strides = array<i32>} : memref<2048xf32, #tpu.memory_space<vmem>>, vector<16xf32>,
    %sub3A_218 = arith.subf %gather3A_215, %gather3A_214 : vector<16xf32>
    %swap3A_219 = arith.constant 1328 : index
    %swap3A_220 = tpu.vector_load %arg12[%swap3A_219] {strides = array<i32>} : memref<2048xf32, #tpu.memory_space<vmem>>, vector<16xf32>,
    tpu.vector_store %arg12[%swap3A_219], %sub3A_218 {strides = array<i32>} : memref<2048xf32, #tpu.memory_space<vmem>>, vector<16xf32>,
    %broadcast_in_dim3A_221 = arith.constant 2 : i32
    %broadcast_in_dim3A_222 = vector.broadcast %broadcast_in_dim3A_221 : i32 to vector<16xi32>
    %gather3A_223 = tpu.vector_load_idx %arg9[%add3A_193, %broadcast_in_dim3A_222] : memref<256x3xf32, #tpu.memory_space<vmem>>[vector<16xi32>, vector<16xi32>], vector<16xf32>,
    %gather3A_224 = tpu.vector_load_idx %arg9[%min3A_199, %broadcast_in_dim3A_222] : memref<256x3xf32, #tpu.memory_space<vmem>>[vector<16xi32>, vector<16xi32>], vector<16xf32>,
    %swap3A_225 = arith.constant 560 : index
    %swap3A_226 = tpu.vector_load %arg12[%swap3A_225] {strides = array<i32>} : memref<2048xf32, #tpu.memory_space<vmem>>, vector<16xf32>,
    tpu.vector_store %arg12[%swap3A_225], %gather3A_223 {strides = array<i32>} : memref<2048xf32, #tpu.memory_space<vmem>>, vector<16xf32>,
    %sub3A_227 = arith.subf %gather3A_224, %gather3A_223 : vector<16xf32>
    %swap3A_228 = arith.constant 1584 : index
    %swap3A_229 = tpu.vector_load %arg12[%swap3A_228] {strides = array<i32>} : memref<2048xf32, #tpu.memory_space<vmem>>, vector<16xf32>,
    tpu.vector_store %arg12[%swap3A_228], %sub3A_227 {strides = array<i32>} : memref<2048xf32, #tpu.memory_space<vmem>>, vector<16xf32>,
    %swap3A_230 = arith.constant 816 : index
    %swap3A_231 = tpu.vector_load %arg12[%swap3A_230] {strides = array<i32>} : memref<2048xf32, #tpu.memory_space<vmem>>, vector<16xf32>,
    tpu.vector_store %arg12[%swap3A_230], %get3A_201 {strides = array<i32>} : memref<2048xf32, #tpu.memory_space<vmem>>, vector<16xf32>,
    %sub3A_232 = arith.subf %gather3A_202, %get3A_201 : vector<16xf32>
    %swap3A_233 = arith.constant 1840 : index
    %swap3A_234 = tpu.vector_load %arg12[%swap3A_233] {strides = array<i32>} : memref<2048xf32, #tpu.memory_space<vmem>>, vector<16xf32>,
    tpu.vector_store %arg12[%swap3A_233], %sub3A_232 {strides = array<i32>} : memref<2048xf32, #tpu.memory_space<vmem>>, vector<16xf32>,
    %add3A_235 = arith.constant 64 : i32
    %add3A_236 = vector.broadcast %add3A_235 : i32 to vector<16xi32>
    %add3A_237 = arith.addi %iota3A, %add3A_236 : vector<16xi32>
    %add3A_238 = arith.constant 1 : i32
    %add3A_239 = vector.broadcast %add3A_238 : i32 to vector<16xi32>
    %add3A_240 = arith.addi %add3A_237, %add3A_239 : vector<16xi32>
    %min3A_241 = arith.constant 255 : i32
    %min3A_242 = vector.broadcast %min3A_241 : i32 to vector<16xi32>
    %min3A_243 = arith.minsi %add3A_240, %min3A_242 : vector<16xi32>
    %get3A_244 = arith.constant 64 : index
    %get3A_245 = tpu.vector_load %arg8[%get3A_244] {strides = array<i32>} : memref<256xf32, #tpu.memory_space<vmem>>, vector<16xf32>,
    %gather3A_246 = tpu.vector_load_idx %arg8[%min3A_243] : memref<256xf32, #tpu.memory_space<vmem>>[vector<16xi32>], vector<16xf32>,
    %broadcast_in_dim3A_247 = arith.constant 0 : i32
    %broadcast_in_dim3A_248 = vector.broadcast %broadcast_in_dim3A_247 : i32 to vector<16xi32>
    %gather3A_249 = tpu.vector_load_idx %arg9[%add3A_237, %broadcast_in_dim3A_248] : memref<256x3xf32, #tpu.memory_space<vmem>>[vector<16xi32>, vector<16xi32>], vector<16xf32>,
    %gather3A_250 = tpu.vector_load_idx %arg9[%min3A_243, %broadcast_in_dim3A_248] : memref<256x3xf32, #tpu.memory_space<vmem>>[vector<16xi32>, vector<16xi32>], vector<16xf32>,
    %swap3A_251 = arith.constant 64 : index
    %swap3A_252 = tpu.vector_load %arg12[%swap3A_251] {strides = array<i32>} : memref<2048xf32, #tpu.memory_space<vmem>>, vector<16xf32>,
    tpu.vector_store %arg12[%swap3A_251], %gather3A_249 {strides = array<i32>} : memref<2048xf32, #tpu.memory_space<vmem>>, vector<16xf32>,
    %sub3A_253 = arith.subf %gather3A_250, %gather3A_249 : vector<16xf32>
    %swap3A_254 = arith.constant 1088 : index
    %swap3A_255 = tpu.vector_load %arg12[%swap3A_254] {strides = array<i32>} : memref<2048xf32, #tpu.memory_space<vmem>>, vector<16xf32>,
    tpu.vector_store %arg12[%swap3A_254], %sub3A_253 {strides = array<i32>} : memref<2048xf32, #tpu.memory_space<vmem>>, vector<16xf32>,
    %broadcast_in_dim3A_256 = arith.constant 1 : i32
    %broadcast_in_dim3A_257 = vector.broadcast %broadcast_in_dim3A_256 : i32 to vector<16xi32>
    %gather3A_258 = tpu.vector_load_idx %arg9[%add3A_237, %broadcast_in_dim3A_257] : memref<256x3xf32, #tpu.memory_space<vmem>>[vector<16xi32>, vector<16xi32>], vector<16xf32>,
    %gather3A_259 = tpu.vector_load_idx %arg9[%min3A_243, %broadcast_in_dim3A_257] : memref<256x3xf32, #tpu.memory_space<vmem>>[vector<16xi32>, vector<16xi32>], vector<16xf32>,
    %swap3A_260 = arith.constant 320 : index
    %swap3A_261 = tpu.vector_load %arg12[%swap3A_260] {strides = array<i32>} : memref<2048xf32, #tpu.memory_space<vmem>>, vector<16xf32>,
    tpu.vector_store %arg12[%swap3A_260], %gather3A_258 {strides = array<i32>} : memref<2048xf32, #tpu.memory_space<vmem>>, vector<16xf32>,
    %sub3A_262 = arith.subf %gather3A_259, %gather3A_258 : vector<16xf32>
    %swap3A_263 = arith.constant 1344 : index
    %swap3A_264 = tpu.vector_load %arg12[%swap3A_263] {strides = array<i32>} : memref<2048xf32, #tpu.memory_space<vmem>>, vector<16xf32>,
    tpu.vector_store %arg12[%swap3A_263], %sub3A_262 {strides = array<i32>} : memref<2048xf32, #tpu.memory_space<vmem>>, vector<16xf32>,
    %broadcast_in_dim3A_265 = arith.constant 2 : i32
    %broadcast_in_dim3A_266 = vector.broadcast %broadcast_in_dim3A_265 : i32 to vector<16xi32>
    %gather3A_267 = tpu.vector_load_idx %arg9[%add3A_237, %broadcast_in_dim3A_266] : memref<256x3xf32, #tpu.memory_space<vmem>>[vector<16xi32>, vector<16xi32>], vector<16xf32>,
    %gather3A_268 = tpu.vector_load_idx %arg9[%min3A_243, %broadcast_in_dim3A_266] : memref<256x3xf32, #tpu.memory_space<vmem>>[vector<16xi32>, vector<16xi32>], vector<16xf32>,
    %swap3A_269 = arith.constant 576 : index
    %swap3A_270 = tpu.vector_load %arg12[%swap3A_269] {strides = array<i32>} : memref<2048xf32, #tpu.memory_space<vmem>>, vector<16xf32>,
    tpu.vector_store %arg12[%swap3A_269], %gather3A_267 {strides = array<i32>} : memref<2048xf32, #tpu.memory_space<vmem>>, vector<16xf32>,
    %sub3A_271 = arith.subf %gather3A_268, %gather3A_267 : vector<16xf32>
    %swap3A_272 = arith.constant 1600 : index
    %swap3A_273 = tpu.vector_load %arg12[%swap3A_272] {strides = array<i32>} : memref<2048xf32, #tpu.memory_space<vmem>>, vector<16xf32>,
    tpu.vector_store %arg12[%swap3A_272], %sub3A_271 {strides = array<i32>} : memref<2048xf32, #tpu.memory_space<vmem>>, vector<16xf32>,
    %swap3A_274 = arith.constant 832 : index
    %swap3A_275 = tpu.vector_load %arg12[%swap3A_274] {strides = array<i32>} : memref<2048xf32, #tpu.memory_space<vmem>>, vector<16xf32>,
    tpu.vector_store %arg12[%swap3A_274], %get3A_245 {strides = array<i32>} : memref<2048xf32, #tpu.memory_space<vmem>>, vector<16xf32>,
    %sub3A_276 = arith.subf %gather3A_246, %get3A_245 : vector<16xf32>
    %swap3A_277 = arith.constant 1856 : index
    %swap3A_278 = tpu.vector_load %arg12[%swap3A_277] {strides = array<i32>} : memref<2048xf32, #tpu.memory_space<vmem>>, vector<16xf32>,
    tpu.vector_store %arg12[%swap3A_277], %sub3A_276 {strides = array<i32>} : memref<2048xf32, #tpu.memory_space<vmem>>, vector<16xf32>,
    %add3A_279 = arith.constant 80 : i32
    %add3A_280 = vector.broadcast %add3A_279 : i32 to vector<16xi32>
    %add3A_281 = arith.addi %iota3A, %add3A_280 : vector<16xi32>
    %add3A_282 = arith.constant 1 : i32
    %add3A_283 = vector.broadcast %add3A_282 : i32 to vector<16xi32>
    %add3A_284 = arith.addi %add3A_281, %add3A_283 : vector<16xi32>
    %min3A_285 = arith.constant 255 : i32
    %min3A_286 = vector.broadcast %min3A_285 : i32 to vector<16xi32>
    %min3A_287 = arith.minsi %add3A_284, %min3A_286 : vector<16xi32>
    %get3A_288 = arith.constant 80 : index
    %get3A_289 = tpu.vector_load %arg8[%get3A_288] {strides = array<i32>} : memref<256xf32, #tpu.memory_space<vmem>>, vector<16xf32>,
    %gather3A_290 = tpu.vector_load_idx %arg8[%min3A_287] : memref<256xf32, #tpu.memory_space<vmem>>[vector<16xi32>], vector<16xf32>,
    %broadcast_in_dim3A_291 = arith.constant 0 : i32
    %broadcast_in_dim3A_292 = vector.broadcast %broadcast_in_dim3A_291 : i32 to vector<16xi32>
    %gather3A_293 = tpu.vector_load_idx %arg9[%add3A_281, %broadcast_in_dim3A_292] : memref<256x3xf32, #tpu.memory_space<vmem>>[vector<16xi32>, vector<16xi32>], vector<16xf32>,
    %gather3A_294 = tpu.vector_load_idx %arg9[%min3A_287, %broadcast_in_dim3A_292] : memref<256x3xf32, #tpu.memory_space<vmem>>[vector<16xi32>, vector<16xi32>], vector<16xf32>,
    %swap3A_295 = arith.constant 80 : index
    %swap3A_296 = tpu.vector_load %arg12[%swap3A_295] {strides = array<i32>} : memref<2048xf32, #tpu.memory_space<vmem>>, vector<16xf32>,
    tpu.vector_store %arg12[%swap3A_295], %gather3A_293 {strides = array<i32>} : memref<2048xf32, #tpu.memory_space<vmem>>, vector<16xf32>,
    %sub3A_297 = arith.subf %gather3A_294, %gather3A_293 : vector<16xf32>
    %swap3A_298 = arith.constant 1104 : index
    %swap3A_299 = tpu.vector_load %arg12[%swap3A_298] {strides = array<i32>} : memref<2048xf32, #tpu.memory_space<vmem>>, vector<16xf32>,
    tpu.vector_store %arg12[%swap3A_298], %sub3A_297 {strides = array<i32>} : memref<2048xf32, #tpu.memory_space<vmem>>, vector<16xf32>,
    %broadcast_in_dim3A_300 = arith.constant 1 : i32
    %broadcast_in_dim3A_301 = vector.broadcast %broadcast_in_dim3A_300 : i32 to vector<16xi32>
    %gather3A_302 = tpu.vector_load_idx %arg9[%add3A_281, %broadcast_in_dim3A_301] : memref<256x3xf32, #tpu.memory_space<vmem>>[vector<16xi32>, vector<16xi32>], vector<16xf32>,
    %gather3A_303 = tpu.vector_load_idx %arg9[%min3A_287, %broadcast_in_dim3A_301] : memref<256x3xf32, #tpu.memory_space<vmem>>[vector<16xi32>, vector<16xi32>], vector<16xf32>,
    %swap3A_304 = arith.constant 336 : index
    %swap3A_305 = tpu.vector_load %arg12[%swap3A_304] {strides = array<i32>} : memref<2048xf32, #tpu.memory_space<vmem>>, vector<16xf32>,
    tpu.vector_store %arg12[%swap3A_304], %gather3A_302 {strides = array<i32>} : memref<2048xf32, #tpu.memory_space<vmem>>, vector<16xf32>,
    %sub3A_306 = arith.subf %gather3A_303, %gather3A_302 : vector<16xf32>
    %swap3A_307 = arith.constant 1360 : index
    %swap3A_308 = tpu.vector_load %arg12[%swap3A_307] {strides = array<i32>} : memref<2048xf32, #tpu.memory_space<vmem>>, vector<16xf32>,
    tpu.vector_store %arg12[%swap3A_307], %sub3A_306 {strides = array<i32>} : memref<2048xf32, #tpu.memory_space<vmem>>, vector<16xf32>,
    %broadcast_in_dim3A_309 = arith.constant 2 : i32
    %broadcast_in_dim3A_310 = vector.broadcast %broadcast_in_dim3A_309 : i32 to vector<16xi32>
    %gather3A_311 = tpu.vector_load_idx %arg9[%add3A_281, %broadcast_in_dim3A_310] : memref<256x3xf32, #tpu.memory_space<vmem>>[vector<16xi32>, vector<16xi32>], vector<16xf32>,
    %gather3A_312 = tpu.vector_load_idx %arg9[%min3A_287, %broadcast_in_dim3A_310] : memref<256x3xf32, #tpu.memory_space<vmem>>[vector<16xi32>, vector<16xi32>], vector<16xf32>,
    %swap3A_313 = arith.constant 592 : index
    %swap3A_314 = tpu.vector_load %arg12[%swap3A_313] {strides = array<i32>} : memref<2048xf32, #tpu.memory_space<vmem>>, vector<16xf32>,
    tpu.vector_store %arg12[%swap3A_313], %gather3A_311 {strides = array<i32>} : memref<2048xf32, #tpu.memory_space<vmem>>, vector<16xf32>,
    %sub3A_315 = arith.subf %gather3A_312, %gather3A_311 : vector<16xf32>
    %swap3A_316 = arith.constant 1616 : index
    %swap3A_317 = tpu.vector_load %arg12[%swap3A_316] {strides = array<i32>} : memref<2048xf32, #tpu.memory_space<vmem>>, vector<16xf32>,
    tpu.vector_store %arg12[%swap3A_316], %sub3A_315 {strides = array<i32>} : memref<2048xf32, #tpu.memory_space<vmem>>, vector<16xf32>,
    %swap3A_318 = arith.constant 848 : index
    %swap3A_319 = tpu.vector_load %arg12[%swap3A_318] {strides = array<i32>} : memref<2048xf32, #tpu.memory_space<vmem>>, vector<16xf32>,
    tpu.vector_store %arg12[%swap3A_318], %get3A_289 {strides = array<i32>} : memref<2048xf32, #tpu.memory_space<vmem>>, vector<16xf32>,
    %sub3A_320 = arith.subf %gather3A_290, %get3A_289 : vector<16xf32>
    %swap3A_321 = arith.constant 1872 : index
    %swap3A_322 = tpu.vector_load %arg12[%swap3A_321] {strides = array<i32>} : memref<2048xf32, #tpu.memory_space<vmem>>, vector<16xf32>,
    tpu.vector_store %arg12[%swap3A_321], %sub3A_320 {strides = array<i32>} : memref<2048xf32, #tpu.memory_space<vmem>>, vector<16xf32>,
    %add3A_323 = arith.constant 96 : i32
    %add3A_324 = vector.broadcast %add3A_323 : i32 to vector<16xi32>
    %add3A_325 = arith.addi %iota3A, %add3A_324 : vector<16xi32>
    %add3A_326 = arith.constant 1 : i32
    %add3A_327 = vector.broadcast %add3A_326 : i32 to vector<16xi32>
    %add3A_328 = arith.addi %add3A_325, %add3A_327 : vector<16xi32>
    %min3A_329 = arith.constant 255 : i32
    %min3A_330 = vector.broadcast %min3A_329 : i32 to vector<16xi32>
    %min3A_331 = arith.minsi %add3A_328, %min3A_330 : vector<16xi32>
    %get3A_332 = arith.constant 96 : index
    %get3A_333 = tpu.vector_load %arg8[%get3A_332] {strides = array<i32>} : memref<256xf32, #tpu.memory_space<vmem>>, vector<16xf32>,
    %gather3A_334 = tpu.vector_load_idx %arg8[%min3A_331] : memref<256xf32, #tpu.memory_space<vmem>>[vector<16xi32>], vector<16xf32>,
    %broadcast_in_dim3A_335 = arith.constant 0 : i32
    %broadcast_in_dim3A_336 = vector.broadcast %broadcast_in_dim3A_335 : i32 to vector<16xi32>
    %gather3A_337 = tpu.vector_load_idx %arg9[%add3A_325, %broadcast_in_dim3A_336] : memref<256x3xf32, #tpu.memory_space<vmem>>[vector<16xi32>, vector<16xi32>], vector<16xf32>,
    %gather3A_338 = tpu.vector_load_idx %arg9[%min3A_331, %broadcast_in_dim3A_336] : memref<256x3xf32, #tpu.memory_space<vmem>>[vector<16xi32>, vector<16xi32>], vector<16xf32>,
    %swap3A_339 = arith.constant 96 : index
    %swap3A_340 = tpu.vector_load %arg12[%swap3A_339] {strides = array<i32>} : memref<2048xf32, #tpu.memory_space<vmem>>, vector<16xf32>,
    tpu.vector_store %arg12[%swap3A_339], %gather3A_337 {strides = array<i32>} : memref<2048xf32, #tpu.memory_space<vmem>>, vector<16xf32>,
    %sub3A_341 = arith.subf %gather3A_338, %gather3A_337 : vector<16xf32>
    %swap3A_342 = arith.constant 1120 : index
    %swap3A_343 = tpu.vector_load %arg12[%swap3A_342] {strides = array<i32>} : memref<2048xf32, #tpu.memory_space<vmem>>, vector<16xf32>,
    tpu.vector_store %arg12[%swap3A_342], %sub3A_341 {strides = array<i32>} : memref<2048xf32, #tpu.memory_space<vmem>>, vector<16xf32>,
    %broadcast_in_dim3A_344 = arith.constant 1 : i32
    %broadcast_in_dim3A_345 = vector.broadcast %broadcast_in_dim3A_344 : i32 to vector<16xi32>
    %gather3A_346 = tpu.vector_load_idx %arg9[%add3A_325, %broadcast_in_dim3A_345] : memref<256x3xf32, #tpu.memory_space<vmem>>[vector<16xi32>, vector<16xi32>], vector<16xf32>,
    %gather3A_347 = tpu.vector_load_idx %arg9[%min3A_331, %broadcast_in_dim3A_345] : memref<256x3xf32, #tpu.memory_space<vmem>>[vector<16xi32>, vector<16xi32>], vector<16xf32>,
    %swap3A_348 = arith.constant 352 : index
    %swap3A_349 = tpu.vector_load %arg12[%swap3A_348] {strides = array<i32>} : memref<2048xf32, #tpu.memory_space<vmem>>, vector<16xf32>,
    tpu.vector_store %arg12[%swap3A_348], %gather3A_346 {strides = array<i32>} : memref<2048xf32, #tpu.memory_space<vmem>>, vector<16xf32>,
    %sub3A_350 = arith.subf %gather3A_347, %gather3A_346 : vector<16xf32>
    %swap3A_351 = arith.constant 1376 : index
    %swap3A_352 = tpu.vector_load %arg12[%swap3A_351] {strides = array<i32>} : memref<2048xf32, #tpu.memory_space<vmem>>, vector<16xf32>,
    tpu.vector_store %arg12[%swap3A_351], %sub3A_350 {strides = array<i32>} : memref<2048xf32, #tpu.memory_space<vmem>>, vector<16xf32>,
    %broadcast_in_dim3A_353 = arith.constant 2 : i32
    %broadcast_in_dim3A_354 = vector.broadcast %broadcast_in_dim3A_353 : i32 to vector<16xi32>
    %gather3A_355 = tpu.vector_load_idx %arg9[%add3A_325, %broadcast_in_dim3A_354] : memref<256x3xf32, #tpu.memory_space<vmem>>[vector<16xi32>, vector<16xi32>], vector<16xf32>,
    %gather3A_356 = tpu.vector_load_idx %arg9[%min3A_331, %broadcast_in_dim3A_354] : memref<256x3xf32, #tpu.memory_space<vmem>>[vector<16xi32>, vector<16xi32>], vector<16xf32>,
    %swap3A_357 = arith.constant 608 : index
    %swap3A_358 = tpu.vector_load %arg12[%swap3A_357] {strides = array<i32>} : memref<2048xf32, #tpu.memory_space<vmem>>, vector<16xf32>,
    tpu.vector_store %arg12[%swap3A_357], %gather3A_355 {strides = array<i32>} : memref<2048xf32, #tpu.memory_space<vmem>>, vector<16xf32>,
    %sub3A_359 = arith.subf %gather3A_356, %gather3A_355 : vector<16xf32>
    %swap3A_360 = arith.constant 1632 : index
    %swap3A_361 = tpu.vector_load %arg12[%swap3A_360] {strides = array<i32>} : memref<2048xf32, #tpu.memory_space<vmem>>, vector<16xf32>,
    tpu.vector_store %arg12[%swap3A_360], %sub3A_359 {strides = array<i32>} : memref<2048xf32, #tpu.memory_space<vmem>>, vector<16xf32>,
    %swap3A_362 = arith.constant 864 : index
    %swap3A_363 = tpu.vector_load %arg12[%swap3A_362] {strides = array<i32>} : memref<2048xf32, #tpu.memory_space<vmem>>, vector<16xf32>,
    tpu.vector_store %arg12[%swap3A_362], %get3A_333 {strides = array<i32>} : memref<2048xf32, #tpu.memory_space<vmem>>, vector<16xf32>,
    %sub3A_364 = arith.subf %gather3A_334, %get3A_333 : vector<16xf32>
    %swap3A_365 = arith.constant 1888 : index
    %swap3A_366 = tpu.vector_load %arg12[%swap3A_365] {strides = array<i32>} : memref<2048xf32, #tpu.memory_space<vmem>>, vector<16xf32>,
    tpu.vector_store %arg12[%swap3A_365], %sub3A_364 {strides = array<i32>} : memref<2048xf32, #tpu.memory_space<vmem>>, vector<16xf32>,
    %add3A_367 = arith.constant 112 : i32
    %add3A_368 = vector.broadcast %add3A_367 : i32 to vector<16xi32>
    %add3A_369 = arith.addi %iota3A, %add3A_368 : vector<16xi32>
    %add3A_370 = arith.constant 1 : i32
    %add3A_371 = vector.broadcast %add3A_370 : i32 to vector<16xi32>
    %add3A_372 = arith.addi %add3A_369, %add3A_371 : vector<16xi32>
    %min3A_373 = arith.constant 255 : i32
    %min3A_374 = vector.broadcast %min3A_373 : i32 to vector<16xi32>
    %min3A_375 = arith.minsi %add3A_372, %min3A_374 : vector<16xi32>
    %get3A_376 = arith.constant 112 : index
    %get3A_377 = tpu.vector_load %arg8[%get3A_376] {strides = array<i32>} : memref<256xf32, #tpu.memory_space<vmem>>, vector<16xf32>,
    %gather3A_378 = tpu.vector_load_idx %arg8[%min3A_375] : memref<256xf32, #tpu.memory_space<vmem>>[vector<16xi32>], vector<16xf32>,
    %broadcast_in_dim3A_379 = arith.constant 0 : i32
    %broadcast_in_dim3A_380 = vector.broadcast %broadcast_in_dim3A_379 : i32 to vector<16xi32>
    %gather3A_381 = tpu.vector_load_idx %arg9[%add3A_369, %broadcast_in_dim3A_380] : memref<256x3xf32, #tpu.memory_space<vmem>>[vector<16xi32>, vector<16xi32>], vector<16xf32>,
    %gather3A_382 = tpu.vector_load_idx %arg9[%min3A_375, %broadcast_in_dim3A_380] : memref<256x3xf32, #tpu.memory_space<vmem>>[vector<16xi32>, vector<16xi32>], vector<16xf32>,
    %swap3A_383 = arith.constant 112 : index
    %swap3A_384 = tpu.vector_load %arg12[%swap3A_383] {strides = array<i32>} : memref<2048xf32, #tpu.memory_space<vmem>>, vector<16xf32>,
    tpu.vector_store %arg12[%swap3A_383], %gather3A_381 {strides = array<i32>} : memref<2048xf32, #tpu.memory_space<vmem>>, vector<16xf32>,
    %sub3A_385 = arith.subf %gather3A_382, %gather3A_381 : vector<16xf32>
    %swap3A_386 = arith.constant 1136 : index
    %swap3A_387 = tpu.vector_load %arg12[%swap3A_386] {strides = array<i32>} : memref<2048xf32, #tpu.memory_space<vmem>>, vector<16xf32>,
    tpu.vector_store %arg12[%swap3A_386], %sub3A_385 {strides = array<i32>} : memref<2048xf32, #tpu.memory_space<vmem>>, vector<16xf32>,
    %broadcast_in_dim3A_388 = arith.constant 1 : i32
    %broadcast_in_dim3A_389 = vector.broadcast %broadcast_in_dim3A_388 : i32 to vector<16xi32>
    %gather3A_390 = tpu.vector_load_idx %arg9[%add3A_369, %broadcast_in_dim3A_389] : memref<256x3xf32, #tpu.memory_space<vmem>>[vector<16xi32>, vector<16xi32>], vector<16xf32>,
    %gather3A_391 = tpu.vector_load_idx %arg9[%min3A_375, %broadcast_in_dim3A_389] : memref<256x3xf32, #tpu.memory_space<vmem>>[vector<16xi32>, vector<16xi32>], vector<16xf32>,
    %swap3A_392 = arith.constant 368 : index
    %swap3A_393 = tpu.vector_load %arg12[%swap3A_392] {strides = array<i32>} : memref<2048xf32, #tpu.memory_space<vmem>>, vector<16xf32>,
    tpu.vector_store %arg12[%swap3A_392], %gather3A_390 {strides = array<i32>} : memref<2048xf32, #tpu.memory_space<vmem>>, vector<16xf32>,
    %sub3A_394 = arith.subf %gather3A_391, %gather3A_390 : vector<16xf32>
    %swap3A_395 = arith.constant 1392 : index
    %swap3A_396 = tpu.vector_load %arg12[%swap3A_395] {strides = array<i32>} : memref<2048xf32, #tpu.memory_space<vmem>>, vector<16xf32>,
    tpu.vector_store %arg12[%swap3A_395], %sub3A_394 {strides = array<i32>} : memref<2048xf32, #tpu.memory_space<vmem>>, vector<16xf32>,
    %broadcast_in_dim3A_397 = arith.constant 2 : i32
    %broadcast_in_dim3A_398 = vector.broadcast %broadcast_in_dim3A_397 : i32 to vector<16xi32>
    %gather3A_399 = tpu.vector_load_idx %arg9[%add3A_369, %broadcast_in_dim3A_398] : memref<256x3xf32, #tpu.memory_space<vmem>>[vector<16xi32>, vector<16xi32>], vector<16xf32>,
    %gather3A_400 = tpu.vector_load_idx %arg9[%min3A_375, %broadcast_in_dim3A_398] : memref<256x3xf32, #tpu.memory_space<vmem>>[vector<16xi32>, vector<16xi32>], vector<16xf32>,
    %swap3A_401 = arith.constant 624 : index
    %swap3A_402 = tpu.vector_load %arg12[%swap3A_401] {strides = array<i32>} : memref<2048xf32, #tpu.memory_space<vmem>>, vector<16xf32>,
    tpu.vector_store %arg12[%swap3A_401], %gather3A_399 {strides = array<i32>} : memref<2048xf32, #tpu.memory_space<vmem>>, vector<16xf32>,
    %sub3A_403 = arith.subf %gather3A_400, %gather3A_399 : vector<16xf32>
    %swap3A_404 = arith.constant 1648 : index
    %swap3A_405 = tpu.vector_load %arg12[%swap3A_404] {strides = array<i32>} : memref<2048xf32, #tpu.memory_space<vmem>>, vector<16xf32>,
    tpu.vector_store %arg12[%swap3A_404], %sub3A_403 {strides = array<i32>} : memref<2048xf32, #tpu.memory_space<vmem>>, vector<16xf32>,
    %swap3A_406 = arith.constant 880 : index
    %swap3A_407 = tpu.vector_load %arg12[%swap3A_406] {strides = array<i32>} : memref<2048xf32, #tpu.memory_space<vmem>>, vector<16xf32>,
    tpu.vector_store %arg12[%swap3A_406], %get3A_377 {strides = array<i32>} : memref<2048xf32, #tpu.memory_space<vmem>>, vector<16xf32>,
    %sub3A_408 = arith.subf %gather3A_378, %get3A_377 : vector<16xf32>
    %swap3A_409 = arith.constant 1904 : index
    %swap3A_410 = tpu.vector_load %arg12[%swap3A_409] {strides = array<i32>} : memref<2048xf32, #tpu.memory_space<vmem>>, vector<16xf32>,
    tpu.vector_store %arg12[%swap3A_409], %sub3A_408 {strides = array<i32>} : memref<2048xf32, #tpu.memory_space<vmem>>, vector<16xf32>,
    %add3A_411 = arith.constant 128 : i32
    %add3A_412 = vector.broadcast %add3A_411 : i32 to vector<16xi32>
    %add3A_413 = arith.addi %iota3A, %add3A_412 : vector<16xi32>
    %add3A_414 = arith.constant 1 : i32
    %add3A_415 = vector.broadcast %add3A_414 : i32 to vector<16xi32>
    %add3A_416 = arith.addi %add3A_413, %add3A_415 : vector<16xi32>
    %min3A_417 = arith.constant 255 : i32
    %min3A_418 = vector.broadcast %min3A_417 : i32 to vector<16xi32>
    %min3A_419 = arith.minsi %add3A_416, %min3A_418 : vector<16xi32>
    %get3A_420 = arith.constant 128 : index
    %get3A_421 = tpu.vector_load %arg8[%get3A_420] {strides = array<i32>} : memref<256xf32, #tpu.memory_space<vmem>>, vector<16xf32>,
    %gather3A_422 = tpu.vector_load_idx %arg8[%min3A_419] : memref<256xf32, #tpu.memory_space<vmem>>[vector<16xi32>], vector<16xf32>,
    %broadcast_in_dim3A_423 = arith.constant 0 : i32
    %broadcast_in_dim3A_424 = vector.broadcast %broadcast_in_dim3A_423 : i32 to vector<16xi32>
    %gather3A_425 = tpu.vector_load_idx %arg9[%add3A_413, %broadcast_in_dim3A_424] : memref<256x3xf32, #tpu.memory_space<vmem>>[vector<16xi32>, vector<16xi32>], vector<16xf32>,
    %gather3A_426 = tpu.vector_load_idx %arg9[%min3A_419, %broadcast_in_dim3A_424] : memref<256x3xf32, #tpu.memory_space<vmem>>[vector<16xi32>, vector<16xi32>], vector<16xf32>,
    %swap3A_427 = arith.constant 128 : index
    %swap3A_428 = tpu.vector_load %arg12[%swap3A_427] {strides = array<i32>} : memref<2048xf32, #tpu.memory_space<vmem>>, vector<16xf32>,
    tpu.vector_store %arg12[%swap3A_427], %gather3A_425 {strides = array<i32>} : memref<2048xf32, #tpu.memory_space<vmem>>, vector<16xf32>,
    %sub3A_429 = arith.subf %gather3A_426, %gather3A_425 : vector<16xf32>
    %swap3A_430 = arith.constant 1152 : index
    %swap3A_431 = tpu.vector_load %arg12[%swap3A_430] {strides = array<i32>} : memref<2048xf32, #tpu.memory_space<vmem>>, vector<16xf32>,
    tpu.vector_store %arg12[%swap3A_430], %sub3A_429 {strides = array<i32>} : memref<2048xf32, #tpu.memory_space<vmem>>, vector<16xf32>,
    %broadcast_in_dim3A_432 = arith.constant 1 : i32
    %broadcast_in_dim3A_433 = vector.broadcast %broadcast_in_dim3A_432 : i32 to vector<16xi32>
    %gather3A_434 = tpu.vector_load_idx %arg9[%add3A_413, %broadcast_in_dim3A_433] : memref<256x3xf32, #tpu.memory_space<vmem>>[vector<16xi32>, vector<16xi32>], vector<16xf32>,
    %gather3A_435 = tpu.vector_load_idx %arg9[%min3A_419, %broadcast_in_dim3A_433] : memref<256x3xf32, #tpu.memory_space<vmem>>[vector<16xi32>, vector<16xi32>], vector<16xf32>,
    %swap3A_436 = arith.constant 384 : index
    %swap3A_437 = tpu.vector_load %arg12[%swap3A_436] {strides = array<i32>} : memref<2048xf32, #tpu.memory_space<vmem>>, vector<16xf32>,
    tpu.vector_store %arg12[%swap3A_436], %gather3A_434 {strides = array<i32>} : memref<2048xf32, #tpu.memory_space<vmem>>, vector<16xf32>,
    %sub3A_438 = arith.subf %gather3A_435, %gather3A_434 : vector<16xf32>
    %swap3A_439 = arith.constant 1408 : index
    %swap3A_440 = tpu.vector_load %arg12[%swap3A_439] {strides = array<i32>} : memref<2048xf32, #tpu.memory_space<vmem>>, vector<16xf32>,
    tpu.vector_store %arg12[%swap3A_439], %sub3A_438 {strides = array<i32>} : memref<2048xf32, #tpu.memory_space<vmem>>, vector<16xf32>,
    %broadcast_in_dim3A_441 = arith.constant 2 : i32
    %broadcast_in_dim3A_442 = vector.broadcast %broadcast_in_dim3A_441 : i32 to vector<16xi32>
    %gather3A_443 = tpu.vector_load_idx %arg9[%add3A_413, %broadcast_in_dim3A_442] : memref<256x3xf32, #tpu.memory_space<vmem>>[vector<16xi32>, vector<16xi32>], vector<16xf32>,
    %gather3A_444 = tpu.vector_load_idx %arg9[%min3A_419, %broadcast_in_dim3A_442] : memref<256x3xf32, #tpu.memory_space<vmem>>[vector<16xi32>, vector<16xi32>], vector<16xf32>,
    %swap3A_445 = arith.constant 640 : index
    %swap3A_446 = tpu.vector_load %arg12[%swap3A_445] {strides = array<i32>} : memref<2048xf32, #tpu.memory_space<vmem>>, vector<16xf32>,
    tpu.vector_store %arg12[%swap3A_445], %gather3A_443 {strides = array<i32>} : memref<2048xf32, #tpu.memory_space<vmem>>, vector<16xf32>,
    %sub3A_447 = arith.subf %gather3A_444, %gather3A_443 : vector<16xf32>
    %swap3A_448 = arith.constant 1664 : index
    %swap3A_449 = tpu.vector_load %arg12[%swap3A_448] {strides = array<i32>} : memref<2048xf32, #tpu.memory_space<vmem>>, vector<16xf32>,
    tpu.vector_store %arg12[%swap3A_448], %sub3A_447 {strides = array<i32>} : memref<2048xf32, #tpu.memory_space<vmem>>, vector<16xf32>,
    %swap3A_450 = arith.constant 896 : index
    %swap3A_451 = tpu.vector_load %arg12[%swap3A_450] {strides = array<i32>} : memref<2048xf32, #tpu.memory_space<vmem>>, vector<16xf32>,
    tpu.vector_store %arg12[%swap3A_450], %get3A_421 {strides = array<i32>} : memref<2048xf32, #tpu.memory_space<vmem>>, vector<16xf32>,
    %sub3A_452 = arith.subf %gather3A_422, %get3A_421 : vector<16xf32>
    %swap3A_453 = arith.constant 1920 : index
    %swap3A_454 = tpu.vector_load %arg12[%swap3A_453] {strides = array<i32>} : memref<2048xf32, #tpu.memory_space<vmem>>, vector<16xf32>,
    tpu.vector_store %arg12[%swap3A_453], %sub3A_452 {strides = array<i32>} : memref<2048xf32, #tpu.memory_space<vmem>>, vector<16xf32>,
    %add3A_455 = arith.constant 144 : i32
    %add3A_456 = vector.broadcast %add3A_455 : i32 to vector<16xi32>
    %add3A_457 = arith.addi %iota3A, %add3A_456 : vector<16xi32>
    %add3A_458 = arith.constant 1 : i32
    %add3A_459 = vector.broadcast %add3A_458 : i32 to vector<16xi32>
    %add3A_460 = arith.addi %add3A_457, %add3A_459 : vector<16xi32>
    %min3A_461 = arith.constant 255 : i32
    %min3A_462 = vector.broadcast %min3A_461 : i32 to vector<16xi32>
    %min3A_463 = arith.minsi %add3A_460, %min3A_462 : vector<16xi32>
    %get3A_464 = arith.constant 144 : index
    %get3A_465 = tpu.vector_load %arg8[%get3A_464] {strides = array<i32>} : memref<256xf32, #tpu.memory_space<vmem>>, vector<16xf32>,
    %gather3A_466 = tpu.vector_load_idx %arg8[%min3A_463] : memref<256xf32, #tpu.memory_space<vmem>>[vector<16xi32>], vector<16xf32>,
    %broadcast_in_dim3A_467 = arith.constant 0 : i32
    %broadcast_in_dim3A_468 = vector.broadcast %broadcast_in_dim3A_467 : i32 to vector<16xi32>
    %gather3A_469 = tpu.vector_load_idx %arg9[%add3A_457, %broadcast_in_dim3A_468] : memref<256x3xf32, #tpu.memory_space<vmem>>[vector<16xi32>, vector<16xi32>], vector<16xf32>,
    %gather3A_470 = tpu.vector_load_idx %arg9[%min3A_463, %broadcast_in_dim3A_468] : memref<256x3xf32, #tpu.memory_space<vmem>>[vector<16xi32>, vector<16xi32>], vector<16xf32>,
    %swap3A_471 = arith.constant 144 : index
    %swap3A_472 = tpu.vector_load %arg12[%swap3A_471] {strides = array<i32>} : memref<2048xf32, #tpu.memory_space<vmem>>, vector<16xf32>,
    tpu.vector_store %arg12[%swap3A_471], %gather3A_469 {strides = array<i32>} : memref<2048xf32, #tpu.memory_space<vmem>>, vector<16xf32>,
    %sub3A_473 = arith.subf %gather3A_470, %gather3A_469 : vector<16xf32>
    %swap3A_474 = arith.constant 1168 : index
    %swap3A_475 = tpu.vector_load %arg12[%swap3A_474] {strides = array<i32>} : memref<2048xf32, #tpu.memory_space<vmem>>, vector<16xf32>,
    tpu.vector_store %arg12[%swap3A_474], %sub3A_473 {strides = array<i32>} : memref<2048xf32, #tpu.memory_space<vmem>>, vector<16xf32>,
    %broadcast_in_dim3A_476 = arith.constant 1 : i32
    %broadcast_in_dim3A_477 = vector.broadcast %broadcast_in_dim3A_476 : i32 to vector<16xi32>
    %gather3A_478 = tpu.vector_load_idx %arg9[%add3A_457, %broadcast_in_dim3A_477] : memref<256x3xf32, #tpu.memory_space<vmem>>[vector<16xi32>, vector<16xi32>], vector<16xf32>,
    %gather3A_479 = tpu.vector_load_idx %arg9[%min3A_463, %broadcast_in_dim3A_477] : memref<256x3xf32, #tpu.memory_space<vmem>>[vector<16xi32>, vector<16xi32>], vector<16xf32>,
    %swap3A_480 = arith.constant 400 : index
    %swap3A_481 = tpu.vector_load %arg12[%swap3A_480] {strides = array<i32>} : memref<2048xf32, #tpu.memory_space<vmem>>, vector<16xf32>,
    tpu.vector_store %arg12[%swap3A_480], %gather3A_478 {strides = array<i32>} : memref<2048xf32, #tpu.memory_space<vmem>>, vector<16xf32>,
    %sub3A_482 = arith.subf %gather3A_479, %gather3A_478 : vector<16xf32>
    %swap3A_483 = arith.constant 1424 : index
    %swap3A_484 = tpu.vector_load %arg12[%swap3A_483] {strides = array<i32>} : memref<2048xf32, #tpu.memory_space<vmem>>, vector<16xf32>,
    tpu.vector_store %arg12[%swap3A_483], %sub3A_482 {strides = array<i32>} : memref<2048xf32, #tpu.memory_space<vmem>>, vector<16xf32>,
    %broadcast_in_dim3A_485 = arith.constant 2 : i32
    %broadcast_in_dim3A_486 = vector.broadcast %broadcast_in_dim3A_485 : i32 to vector<16xi32>
    %gather3A_487 = tpu.vector_load_idx %arg9[%add3A_457, %broadcast_in_dim3A_486] : memref<256x3xf32, #tpu.memory_space<vmem>>[vector<16xi32>, vector<16xi32>], vector<16xf32>,
    %gather3A_488 = tpu.vector_load_idx %arg9[%min3A_463, %broadcast_in_dim3A_486] : memref<256x3xf32, #tpu.memory_space<vmem>>[vector<16xi32>, vector<16xi32>], vector<16xf32>,
    %swap3A_489 = arith.constant 656 : index
    %swap3A_490 = tpu.vector_load %arg12[%swap3A_489] {strides = array<i32>} : memref<2048xf32, #tpu.memory_space<vmem>>, vector<16xf32>,
    tpu.vector_store %arg12[%swap3A_489], %gather3A_487 {strides = array<i32>} : memref<2048xf32, #tpu.memory_space<vmem>>, vector<16xf32>,
    %sub3A_491 = arith.subf %gather3A_488, %gather3A_487 : vector<16xf32>
    %swap3A_492 = arith.constant 1680 : index
    %swap3A_493 = tpu.vector_load %arg12[%swap3A_492] {strides = array<i32>} : memref<2048xf32, #tpu.memory_space<vmem>>, vector<16xf32>,
    tpu.vector_store %arg12[%swap3A_492], %sub3A_491 {strides = array<i32>} : memref<2048xf32, #tpu.memory_space<vmem>>, vector<16xf32>,
    %swap3A_494 = arith.constant 912 : index
    %swap3A_495 = tpu.vector_load %arg12[%swap3A_494] {strides = array<i32>} : memref<2048xf32, #tpu.memory_space<vmem>>, vector<16xf32>,
    tpu.vector_store %arg12[%swap3A_494], %get3A_465 {strides = array<i32>} : memref<2048xf32, #tpu.memory_space<vmem>>, vector<16xf32>,
    %sub3A_496 = arith.subf %gather3A_466, %get3A_465 : vector<16xf32>
    %swap3A_497 = arith.constant 1936 : index
    %swap3A_498 = tpu.vector_load %arg12[%swap3A_497] {strides = array<i32>} : memref<2048xf32, #tpu.memory_space<vmem>>, vector<16xf32>,
    tpu.vector_store %arg12[%swap3A_497], %sub3A_496 {strides = array<i32>} : memref<2048xf32, #tpu.memory_space<vmem>>, vector<16xf32>,
    %add3A_499 = arith.constant 160 : i32
    %add3A_500 = vector.broadcast %add3A_499 : i32 to vector<16xi32>
    %add3A_501 = arith.addi %iota3A, %add3A_500 : vector<16xi32>
    %add3A_502 = arith.constant 1 : i32
    %add3A_503 = vector.broadcast %add3A_502 : i32 to vector<16xi32>
    %add3A_504 = arith.addi %add3A_501, %add3A_503 : vector<16xi32>
    %min3A_505 = arith.constant 255 : i32
    %min3A_506 = vector.broadcast %min3A_505 : i32 to vector<16xi32>
    %min3A_507 = arith.minsi %add3A_504, %min3A_506 : vector<16xi32>
    %get3A_508 = arith.constant 160 : index
    %get3A_509 = tpu.vector_load %arg8[%get3A_508] {strides = array<i32>} : memref<256xf32, #tpu.memory_space<vmem>>, vector<16xf32>,
    %gather3A_510 = tpu.vector_load_idx %arg8[%min3A_507] : memref<256xf32, #tpu.memory_space<vmem>>[vector<16xi32>], vector<16xf32>,
    %broadcast_in_dim3A_511 = arith.constant 0 : i32
    %broadcast_in_dim3A_512 = vector.broadcast %broadcast_in_dim3A_511 : i32 to vector<16xi32>
    %gather3A_513 = tpu.vector_load_idx %arg9[%add3A_501, %broadcast_in_dim3A_512] : memref<256x3xf32, #tpu.memory_space<vmem>>[vector<16xi32>, vector<16xi32>], vector<16xf32>,
    %gather3A_514 = tpu.vector_load_idx %arg9[%min3A_507, %broadcast_in_dim3A_512] : memref<256x3xf32, #tpu.memory_space<vmem>>[vector<16xi32>, vector<16xi32>], vector<16xf32>,
    %swap3A_515 = arith.constant 160 : index
    %swap3A_516 = tpu.vector_load %arg12[%swap3A_515] {strides = array<i32>} : memref<2048xf32, #tpu.memory_space<vmem>>, vector<16xf32>,
    tpu.vector_store %arg12[%swap3A_515], %gather3A_513 {strides = array<i32>} : memref<2048xf32, #tpu.memory_space<vmem>>, vector<16xf32>,
    %sub3A_517 = arith.subf %gather3A_514, %gather3A_513 : vector<16xf32>
    %swap3A_518 = arith.constant 1184 : index
    %swap3A_519 = tpu.vector_load %arg12[%swap3A_518] {strides = array<i32>} : memref<2048xf32, #tpu.memory_space<vmem>>, vector<16xf32>,
    tpu.vector_store %arg12[%swap3A_518], %sub3A_517 {strides = array<i32>} : memref<2048xf32, #tpu.memory_space<vmem>>, vector<16xf32>,
    %broadcast_in_dim3A_520 = arith.constant 1 : i32
    %broadcast_in_dim3A_521 = vector.broadcast %broadcast_in_dim3A_520 : i32 to vector<16xi32>
    %gather3A_522 = tpu.vector_load_idx %arg9[%add3A_501, %broadcast_in_dim3A_521] : memref<256x3xf32, #tpu.memory_space<vmem>>[vector<16xi32>, vector<16xi32>], vector<16xf32>,
    %gather3A_523 = tpu.vector_load_idx %arg9[%min3A_507, %broadcast_in_dim3A_521] : memref<256x3xf32, #tpu.memory_space<vmem>>[vector<16xi32>, vector<16xi32>], vector<16xf32>,
    %swap3A_524 = arith.constant 416 : index
    %swap3A_525 = tpu.vector_load %arg12[%swap3A_524] {strides = array<i32>} : memref<2048xf32, #tpu.memory_space<vmem>>, vector<16xf32>,
    tpu.vector_store %arg12[%swap3A_524], %gather3A_522 {strides = array<i32>} : memref<2048xf32, #tpu.memory_space<vmem>>, vector<16xf32>,
    %sub3A_526 = arith.subf %gather3A_523, %gather3A_522 : vector<16xf32>
    %swap3A_527 = arith.constant 1440 : index
    %swap3A_528 = tpu.vector_load %arg12[%swap3A_527] {strides = array<i32>} : memref<2048xf32, #tpu.memory_space<vmem>>, vector<16xf32>,
    tpu.vector_store %arg12[%swap3A_527], %sub3A_526 {strides = array<i32>} : memref<2048xf32, #tpu.memory_space<vmem>>, vector<16xf32>,
    %broadcast_in_dim3A_529 = arith.constant 2 : i32
    %broadcast_in_dim3A_530 = vector.broadcast %broadcast_in_dim3A_529 : i32 to vector<16xi32>
    %gather3A_531 = tpu.vector_load_idx %arg9[%add3A_501, %broadcast_in_dim3A_530] : memref<256x3xf32, #tpu.memory_space<vmem>>[vector<16xi32>, vector<16xi32>], vector<16xf32>,
    %gather3A_532 = tpu.vector_load_idx %arg9[%min3A_507, %broadcast_in_dim3A_530] : memref<256x3xf32, #tpu.memory_space<vmem>>[vector<16xi32>, vector<16xi32>], vector<16xf32>,
    %swap3A_533 = arith.constant 672 : index
    %swap3A_534 = tpu.vector_load %arg12[%swap3A_533] {strides = array<i32>} : memref<2048xf32, #tpu.memory_space<vmem>>, vector<16xf32>,
    tpu.vector_store %arg12[%swap3A_533], %gather3A_531 {strides = array<i32>} : memref<2048xf32, #tpu.memory_space<vmem>>, vector<16xf32>,
    %sub3A_535 = arith.subf %gather3A_532, %gather3A_531 : vector<16xf32>
    %swap3A_536 = arith.constant 1696 : index
    %swap3A_537 = tpu.vector_load %arg12[%swap3A_536] {strides = array<i32>} : memref<2048xf32, #tpu.memory_space<vmem>>, vector<16xf32>,
    tpu.vector_store %arg12[%swap3A_536], %sub3A_535 {strides = array<i32>} : memref<2048xf32, #tpu.memory_space<vmem>>, vector<16xf32>,
    %swap3A_538 = arith.constant 928 : index
    %swap3A_539 = tpu.vector_load %arg12[%swap3A_538] {strides = array<i32>} : memref<2048xf32, #tpu.memory_space<vmem>>, vector<16xf32>,
    tpu.vector_store %arg12[%swap3A_538], %get3A_509 {strides = array<i32>} : memref<2048xf32, #tpu.memory_space<vmem>>, vector<16xf32>,
    %sub3A_540 = arith.subf %gather3A_510, %get3A_509 : vector<16xf32>
    %swap3A_541 = arith.constant 1952 : index
    %swap3A_542 = tpu.vector_load %arg12[%swap3A_541] {strides = array<i32>} : memref<2048xf32, #tpu.memory_space<vmem>>, vector<16xf32>,
    tpu.vector_store %arg12[%swap3A_541], %sub3A_540 {strides = array<i32>} : memref<2048xf32, #tpu.memory_space<vmem>>, vector<16xf32>,
    %add3A_543 = arith.constant 176 : i32
    %add3A_544 = vector.broadcast %add3A_543 : i32 to vector<16xi32>
    %add3A_545 = arith.addi %iota3A, %add3A_544 : vector<16xi32>
    %add3A_546 = arith.constant 1 : i32
    %add3A_547 = vector.broadcast %add3A_546 : i32 to vector<16xi32>
    %add3A_548 = arith.addi %add3A_545, %add3A_547 : vector<16xi32>
    %min3A_549 = arith.constant 255 : i32
    %min3A_550 = vector.broadcast %min3A_549 : i32 to vector<16xi32>
    %min3A_551 = arith.minsi %add3A_548, %min3A_550 : vector<16xi32>
    %get3A_552 = arith.constant 176 : index
    %get3A_553 = tpu.vector_load %arg8[%get3A_552] {strides = array<i32>} : memref<256xf32, #tpu.memory_space<vmem>>, vector<16xf32>,
    %gather3A_554 = tpu.vector_load_idx %arg8[%min3A_551] : memref<256xf32, #tpu.memory_space<vmem>>[vector<16xi32>], vector<16xf32>,
    %broadcast_in_dim3A_555 = arith.constant 0 : i32
    %broadcast_in_dim3A_556 = vector.broadcast %broadcast_in_dim3A_555 : i32 to vector<16xi32>
    %gather3A_557 = tpu.vector_load_idx %arg9[%add3A_545, %broadcast_in_dim3A_556] : memref<256x3xf32, #tpu.memory_space<vmem>>[vector<16xi32>, vector<16xi32>], vector<16xf32>,
    %gather3A_558 = tpu.vector_load_idx %arg9[%min3A_551, %broadcast_in_dim3A_556] : memref<256x3xf32, #tpu.memory_space<vmem>>[vector<16xi32>, vector<16xi32>], vector<16xf32>,
    %swap3A_559 = arith.constant 176 : index
    %swap3A_560 = tpu.vector_load %arg12[%swap3A_559] {strides = array<i32>} : memref<2048xf32, #tpu.memory_space<vmem>>, vector<16xf32>,
    tpu.vector_store %arg12[%swap3A_559], %gather3A_557 {strides = array<i32>} : memref<2048xf32, #tpu.memory_space<vmem>>, vector<16xf32>,
    %sub3A_561 = arith.subf %gather3A_558, %gather3A_557 : vector<16xf32>
    %swap3A_562 = arith.constant 1200 : index
    %swap3A_563 = tpu.vector_load %arg12[%swap3A_562] {strides = array<i32>} : memref<2048xf32, #tpu.memory_space<vmem>>, vector<16xf32>,
    tpu.vector_store %arg12[%swap3A_562], %sub3A_561 {strides = array<i32>} : memref<2048xf32, #tpu.memory_space<vmem>>, vector<16xf32>,
    %broadcast_in_dim3A_564 = arith.constant 1 : i32
    %broadcast_in_dim3A_565 = vector.broadcast %broadcast_in_dim3A_564 : i32 to vector<16xi32>
    %gather3A_566 = tpu.vector_load_idx %arg9[%add3A_545, %broadcast_in_dim3A_565] : memref<256x3xf32, #tpu.memory_space<vmem>>[vector<16xi32>, vector<16xi32>], vector<16xf32>,
    %gather3A_567 = tpu.vector_load_idx %arg9[%min3A_551, %broadcast_in_dim3A_565] : memref<256x3xf32, #tpu.memory_space<vmem>>[vector<16xi32>, vector<16xi32>], vector<16xf32>,
    %swap3A_568 = arith.constant 432 : index
    %swap3A_569 = tpu.vector_load %arg12[%swap3A_568] {strides = array<i32>} : memref<2048xf32, #tpu.memory_space<vmem>>, vector<16xf32>,
    tpu.vector_store %arg12[%swap3A_568], %gather3A_566 {strides = array<i32>} : memref<2048xf32, #tpu.memory_space<vmem>>, vector<16xf32>,
    %sub3A_570 = arith.subf %gather3A_567, %gather3A_566 : vector<16xf32>
    %swap3A_571 = arith.constant 1456 : index
    %swap3A_572 = tpu.vector_load %arg12[%swap3A_571] {strides = array<i32>} : memref<2048xf32, #tpu.memory_space<vmem>>, vector<16xf32>,
    tpu.vector_store %arg12[%swap3A_571], %sub3A_570 {strides = array<i32>} : memref<2048xf32, #tpu.memory_space<vmem>>, vector<16xf32>,
    %broadcast_in_dim3A_573 = arith.constant 2 : i32
    %broadcast_in_dim3A_574 = vector.broadcast %broadcast_in_dim3A_573 : i32 to vector<16xi32>
    %gather3A_575 = tpu.vector_load_idx %arg9[%add3A_545, %broadcast_in_dim3A_574] : memref<256x3xf32, #tpu.memory_space<vmem>>[vector<16xi32>, vector<16xi32>], vector<16xf32>,
    %gather3A_576 = tpu.vector_load_idx %arg9[%min3A_551, %broadcast_in_dim3A_574] : memref<256x3xf32, #tpu.memory_space<vmem>>[vector<16xi32>, vector<16xi32>], vector<16xf32>,
    %swap3A_577 = arith.constant 688 : index
    %swap3A_578 = tpu.vector_load %arg12[%swap3A_577] {strides = array<i32>} : memref<2048xf32, #tpu.memory_space<vmem>>, vector<16xf32>,
    tpu.vector_store %arg12[%swap3A_577], %gather3A_575 {strides = array<i32>} : memref<2048xf32, #tpu.memory_space<vmem>>, vector<16xf32>,
    %sub3A_579 = arith.subf %gather3A_576, %gather3A_575 : vector<16xf32>
    %swap3A_580 = arith.constant 1712 : index
    %swap3A_581 = tpu.vector_load %arg12[%swap3A_580] {strides = array<i32>} : memref<2048xf32, #tpu.memory_space<vmem>>, vector<16xf32>,
    tpu.vector_store %arg12[%swap3A_580], %sub3A_579 {strides = array<i32>} : memref<2048xf32, #tpu.memory_space<vmem>>, vector<16xf32>,
    %swap3A_582 = arith.constant 944 : index
    %swap3A_583 = tpu.vector_load %arg12[%swap3A_582] {strides = array<i32>} : memref<2048xf32, #tpu.memory_space<vmem>>, vector<16xf32>,
    tpu.vector_store %arg12[%swap3A_582], %get3A_553 {strides = array<i32>} : memref<2048xf32, #tpu.memory_space<vmem>>, vector<16xf32>,
    %sub3A_584 = arith.subf %gather3A_554, %get3A_553 : vector<16xf32>
    %swap3A_585 = arith.constant 1968 : index
    %swap3A_586 = tpu.vector_load %arg12[%swap3A_585] {strides = array<i32>} : memref<2048xf32, #tpu.memory_space<vmem>>, vector<16xf32>,
    tpu.vector_store %arg12[%swap3A_585], %sub3A_584 {strides = array<i32>} : memref<2048xf32, #tpu.memory_space<vmem>>, vector<16xf32>,
    %add3A_587 = arith.constant 192 : i32
    %add3A_588 = vector.broadcast %add3A_587 : i32 to vector<16xi32>
    %add3A_589 = arith.addi %iota3A, %add3A_588 : vector<16xi32>
    %add3A_590 = arith.constant 1 : i32
    %add3A_591 = vector.broadcast %add3A_590 : i32 to vector<16xi32>
    %add3A_592 = arith.addi %add3A_589, %add3A_591 : vector<16xi32>
    %min3A_593 = arith.constant 255 : i32
    %min3A_594 = vector.broadcast %min3A_593 : i32 to vector<16xi32>
    %min3A_595 = arith.minsi %add3A_592, %min3A_594 : vector<16xi32>
    %get3A_596 = arith.constant 192 : index
    %get3A_597 = tpu.vector_load %arg8[%get3A_596] {strides = array<i32>} : memref<256xf32, #tpu.memory_space<vmem>>, vector<16xf32>,
    %gather3A_598 = tpu.vector_load_idx %arg8[%min3A_595] : memref<256xf32, #tpu.memory_space<vmem>>[vector<16xi32>], vector<16xf32>,
    %broadcast_in_dim3A_599 = arith.constant 0 : i32
    %broadcast_in_dim3A_600 = vector.broadcast %broadcast_in_dim3A_599 : i32 to vector<16xi32>
    %gather3A_601 = tpu.vector_load_idx %arg9[%add3A_589, %broadcast_in_dim3A_600] : memref<256x3xf32, #tpu.memory_space<vmem>>[vector<16xi32>, vector<16xi32>], vector<16xf32>,
    %gather3A_602 = tpu.vector_load_idx %arg9[%min3A_595, %broadcast_in_dim3A_600] : memref<256x3xf32, #tpu.memory_space<vmem>>[vector<16xi32>, vector<16xi32>], vector<16xf32>,
    %swap3A_603 = arith.constant 192 : index
    %swap3A_604 = tpu.vector_load %arg12[%swap3A_603] {strides = array<i32>} : memref<2048xf32, #tpu.memory_space<vmem>>, vector<16xf32>,
    tpu.vector_store %arg12[%swap3A_603], %gather3A_601 {strides = array<i32>} : memref<2048xf32, #tpu.memory_space<vmem>>, vector<16xf32>,
    %sub3A_605 = arith.subf %gather3A_602, %gather3A_601 : vector<16xf32>
    %swap3A_606 = arith.constant 1216 : index
    %swap3A_607 = tpu.vector_load %arg12[%swap3A_606] {strides = array<i32>} : memref<2048xf32, #tpu.memory_space<vmem>>, vector<16xf32>,
    tpu.vector_store %arg12[%swap3A_606], %sub3A_605 {strides = array<i32>} : memref<2048xf32, #tpu.memory_space<vmem>>, vector<16xf32>,
    %broadcast_in_dim3A_608 = arith.constant 1 : i32
    %broadcast_in_dim3A_609 = vector.broadcast %broadcast_in_dim3A_608 : i32 to vector<16xi32>
    %gather3A_610 = tpu.vector_load_idx %arg9[%add3A_589, %broadcast_in_dim3A_609] : memref<256x3xf32, #tpu.memory_space<vmem>>[vector<16xi32>, vector<16xi32>], vector<16xf32>,
    %gather3A_611 = tpu.vector_load_idx %arg9[%min3A_595, %broadcast_in_dim3A_609] : memref<256x3xf32, #tpu.memory_space<vmem>>[vector<16xi32>, vector<16xi32>], vector<16xf32>,
    %swap3A_612 = arith.constant 448 : index
    %swap3A_613 = tpu.vector_load %arg12[%swap3A_612] {strides = array<i32>} : memref<2048xf32, #tpu.memory_space<vmem>>, vector<16xf32>,
    tpu.vector_store %arg12[%swap3A_612], %gather3A_610 {strides = array<i32>} : memref<2048xf32, #tpu.memory_space<vmem>>, vector<16xf32>,
    %sub3A_614 = arith.subf %gather3A_611, %gather3A_610 : vector<16xf32>
    %swap3A_615 = arith.constant 1472 : index
    %swap3A_616 = tpu.vector_load %arg12[%swap3A_615] {strides = array<i32>} : memref<2048xf32, #tpu.memory_space<vmem>>, vector<16xf32>,
    tpu.vector_store %arg12[%swap3A_615], %sub3A_614 {strides = array<i32>} : memref<2048xf32, #tpu.memory_space<vmem>>, vector<16xf32>,
    %broadcast_in_dim3A_617 = arith.constant 2 : i32
    %broadcast_in_dim3A_618 = vector.broadcast %broadcast_in_dim3A_617 : i32 to vector<16xi32>
    %gather3A_619 = tpu.vector_load_idx %arg9[%add3A_589, %broadcast_in_dim3A_618] : memref<256x3xf32, #tpu.memory_space<vmem>>[vector<16xi32>, vector<16xi32>], vector<16xf32>,
    %gather3A_620 = tpu.vector_load_idx %arg9[%min3A_595, %broadcast_in_dim3A_618] : memref<256x3xf32, #tpu.memory_space<vmem>>[vector<16xi32>, vector<16xi32>], vector<16xf32>,
    %swap3A_621 = arith.constant 704 : index
    %swap3A_622 = tpu.vector_load %arg12[%swap3A_621] {strides = array<i32>} : memref<2048xf32, #tpu.memory_space<vmem>>, vector<16xf32>,
    tpu.vector_store %arg12[%swap3A_621], %gather3A_619 {strides = array<i32>} : memref<2048xf32, #tpu.memory_space<vmem>>, vector<16xf32>,
    %sub3A_623 = arith.subf %gather3A_620, %gather3A_619 : vector<16xf32>
    %swap3A_624 = arith.constant 1728 : index
    %swap3A_625 = tpu.vector_load %arg12[%swap3A_624] {strides = array<i32>} : memref<2048xf32, #tpu.memory_space<vmem>>, vector<16xf32>,
    tpu.vector_store %arg12[%swap3A_624], %sub3A_623 {strides = array<i32>} : memref<2048xf32, #tpu.memory_space<vmem>>, vector<16xf32>,
    %swap3A_626 = arith.constant 960 : index
    %swap3A_627 = tpu.vector_load %arg12[%swap3A_626] {strides = array<i32>} : memref<2048xf32, #tpu.memory_space<vmem>>, vector<16xf32>,
    tpu.vector_store %arg12[%swap3A_626], %get3A_597 {strides = array<i32>} : memref<2048xf32, #tpu.memory_space<vmem>>, vector<16xf32>,
    %sub3A_628 = arith.subf %gather3A_598, %get3A_597 : vector<16xf32>
    %swap3A_629 = arith.constant 1984 : index
    %swap3A_630 = tpu.vector_load %arg12[%swap3A_629] {strides = array<i32>} : memref<2048xf32, #tpu.memory_space<vmem>>, vector<16xf32>,
    tpu.vector_store %arg12[%swap3A_629], %sub3A_628 {strides = array<i32>} : memref<2048xf32, #tpu.memory_space<vmem>>, vector<16xf32>,
    %add3A_631 = arith.constant 208 : i32
    %add3A_632 = vector.broadcast %add3A_631 : i32 to vector<16xi32>
    %add3A_633 = arith.addi %iota3A, %add3A_632 : vector<16xi32>
    %add3A_634 = arith.constant 1 : i32
    %add3A_635 = vector.broadcast %add3A_634 : i32 to vector<16xi32>
    %add3A_636 = arith.addi %add3A_633, %add3A_635 : vector<16xi32>
    %min3A_637 = arith.constant 255 : i32
    %min3A_638 = vector.broadcast %min3A_637 : i32 to vector<16xi32>
    %min3A_639 = arith.minsi %add3A_636, %min3A_638 : vector<16xi32>
    %get3A_640 = arith.constant 208 : index
    %get3A_641 = tpu.vector_load %arg8[%get3A_640] {strides = array<i32>} : memref<256xf32, #tpu.memory_space<vmem>>, vector<16xf32>,
    %gather3A_642 = tpu.vector_load_idx %arg8[%min3A_639] : memref<256xf32, #tpu.memory_space<vmem>>[vector<16xi32>], vector<16xf32>,
    %broadcast_in_dim3A_643 = arith.constant 0 : i32
    %broadcast_in_dim3A_644 = vector.broadcast %broadcast_in_dim3A_643 : i32 to vector<16xi32>
    %gather3A_645 = tpu.vector_load_idx %arg9[%add3A_633, %broadcast_in_dim3A_644] : memref<256x3xf32, #tpu.memory_space<vmem>>[vector<16xi32>, vector<16xi32>], vector<16xf32>,
    %gather3A_646 = tpu.vector_load_idx %arg9[%min3A_639, %broadcast_in_dim3A_644] : memref<256x3xf32, #tpu.memory_space<vmem>>[vector<16xi32>, vector<16xi32>], vector<16xf32>,
    %swap3A_647 = arith.constant 208 : index
    %swap3A_648 = tpu.vector_load %arg12[%swap3A_647] {strides = array<i32>} : memref<2048xf32, #tpu.memory_space<vmem>>, vector<16xf32>,
    tpu.vector_store %arg12[%swap3A_647], %gather3A_645 {strides = array<i32>} : memref<2048xf32, #tpu.memory_space<vmem>>, vector<16xf32>,
    %sub3A_649 = arith.subf %gather3A_646, %gather3A_645 : vector<16xf32>
    %swap3A_650 = arith.constant 1232 : index
    %swap3A_651 = tpu.vector_load %arg12[%swap3A_650] {strides = array<i32>} : memref<2048xf32, #tpu.memory_space<vmem>>, vector<16xf32>,
    tpu.vector_store %arg12[%swap3A_650], %sub3A_649 {strides = array<i32>} : memref<2048xf32, #tpu.memory_space<vmem>>, vector<16xf32>,
    %broadcast_in_dim3A_652 = arith.constant 1 : i32
    %broadcast_in_dim3A_653 = vector.broadcast %broadcast_in_dim3A_652 : i32 to vector<16xi32>
    %gather3A_654 = tpu.vector_load_idx %arg9[%add3A_633, %broadcast_in_dim3A_653] : memref<256x3xf32, #tpu.memory_space<vmem>>[vector<16xi32>, vector<16xi32>], vector<16xf32>,
    %gather3A_655 = tpu.vector_load_idx %arg9[%min3A_639, %broadcast_in_dim3A_653] : memref<256x3xf32, #tpu.memory_space<vmem>>[vector<16xi32>, vector<16xi32>], vector<16xf32>,
    %swap3A_656 = arith.constant 464 : index
    %swap3A_657 = tpu.vector_load %arg12[%swap3A_656] {strides = array<i32>} : memref<2048xf32, #tpu.memory_space<vmem>>, vector<16xf32>,
    tpu.vector_store %arg12[%swap3A_656], %gather3A_654 {strides = array<i32>} : memref<2048xf32, #tpu.memory_space<vmem>>, vector<16xf32>,
    %sub3A_658 = arith.subf %gather3A_655, %gather3A_654 : vector<16xf32>
    %swap3A_659 = arith.constant 1488 : index
    %swap3A_660 = tpu.vector_load %arg12[%swap3A_659] {strides = array<i32>} : memref<2048xf32, #tpu.memory_space<vmem>>, vector<16xf32>,
    tpu.vector_store %arg12[%swap3A_659], %sub3A_658 {strides = array<i32>} : memref<2048xf32, #tpu.memory_space<vmem>>, vector<16xf32>,
    %broadcast_in_dim3A_661 = arith.constant 2 : i32
    %broadcast_in_dim3A_662 = vector.broadcast %broadcast_in_dim3A_661 : i32 to vector<16xi32>
    %gather3A_663 = tpu.vector_load_idx %arg9[%add3A_633, %broadcast_in_dim3A_662] : memref<256x3xf32, #tpu.memory_space<vmem>>[vector<16xi32>, vector<16xi32>], vector<16xf32>,
    %gather3A_664 = tpu.vector_load_idx %arg9[%min3A_639, %broadcast_in_dim3A_662] : memref<256x3xf32, #tpu.memory_space<vmem>>[vector<16xi32>, vector<16xi32>], vector<16xf32>,
    %swap3A_665 = arith.constant 720 : index
    %swap3A_666 = tpu.vector_load %arg12[%swap3A_665] {strides = array<i32>} : memref<2048xf32, #tpu.memory_space<vmem>>, vector<16xf32>,
    tpu.vector_store %arg12[%swap3A_665], %gather3A_663 {strides = array<i32>} : memref<2048xf32, #tpu.memory_space<vmem>>, vector<16xf32>,
    %sub3A_667 = arith.subf %gather3A_664, %gather3A_663 : vector<16xf32>
    %swap3A_668 = arith.constant 1744 : index
    %swap3A_669 = tpu.vector_load %arg12[%swap3A_668] {strides = array<i32>} : memref<2048xf32, #tpu.memory_space<vmem>>, vector<16xf32>,
    tpu.vector_store %arg12[%swap3A_668], %sub3A_667 {strides = array<i32>} : memref<2048xf32, #tpu.memory_space<vmem>>, vector<16xf32>,
    %swap3A_670 = arith.constant 976 : index
    %swap3A_671 = tpu.vector_load %arg12[%swap3A_670] {strides = array<i32>} : memref<2048xf32, #tpu.memory_space<vmem>>, vector<16xf32>,
    tpu.vector_store %arg12[%swap3A_670], %get3A_641 {strides = array<i32>} : memref<2048xf32, #tpu.memory_space<vmem>>, vector<16xf32>,
    %sub3A_672 = arith.subf %gather3A_642, %get3A_641 : vector<16xf32>
    %swap3A_673 = arith.constant 2000 : index
    %swap3A_674 = tpu.vector_load %arg12[%swap3A_673] {strides = array<i32>} : memref<2048xf32, #tpu.memory_space<vmem>>, vector<16xf32>,
    tpu.vector_store %arg12[%swap3A_673], %sub3A_672 {strides = array<i32>} : memref<2048xf32, #tpu.memory_space<vmem>>, vector<16xf32>,
    %add3A_675 = arith.constant 224 : i32
    %add3A_676 = vector.broadcast %add3A_675 : i32 to vector<16xi32>
    %add3A_677 = arith.addi %iota3A, %add3A_676 : vector<16xi32>
    %add3A_678 = arith.constant 1 : i32
    %add3A_679 = vector.broadcast %add3A_678 : i32 to vector<16xi32>
    %add3A_680 = arith.addi %add3A_677, %add3A_679 : vector<16xi32>
    %min3A_681 = arith.constant 255 : i32
    %min3A_682 = vector.broadcast %min3A_681 : i32 to vector<16xi32>
    %min3A_683 = arith.minsi %add3A_680, %min3A_682 : vector<16xi32>
    %get3A_684 = arith.constant 224 : index
    %get3A_685 = tpu.vector_load %arg8[%get3A_684] {strides = array<i32>} : memref<256xf32, #tpu.memory_space<vmem>>, vector<16xf32>,
    %gather3A_686 = tpu.vector_load_idx %arg8[%min3A_683] : memref<256xf32, #tpu.memory_space<vmem>>[vector<16xi32>], vector<16xf32>,
    %broadcast_in_dim3A_687 = arith.constant 0 : i32
    %broadcast_in_dim3A_688 = vector.broadcast %broadcast_in_dim3A_687 : i32 to vector<16xi32>
    %gather3A_689 = tpu.vector_load_idx %arg9[%add3A_677, %broadcast_in_dim3A_688] : memref<256x3xf32, #tpu.memory_space<vmem>>[vector<16xi32>, vector<16xi32>], vector<16xf32>,
    %gather3A_690 = tpu.vector_load_idx %arg9[%min3A_683, %broadcast_in_dim3A_688] : memref<256x3xf32, #tpu.memory_space<vmem>>[vector<16xi32>, vector<16xi32>], vector<16xf32>,
    %swap3A_691 = arith.constant 224 : index
    %swap3A_692 = tpu.vector_load %arg12[%swap3A_691] {strides = array<i32>} : memref<2048xf32, #tpu.memory_space<vmem>>, vector<16xf32>,
    tpu.vector_store %arg12[%swap3A_691], %gather3A_689 {strides = array<i32>} : memref<2048xf32, #tpu.memory_space<vmem>>, vector<16xf32>,
    %sub3A_693 = arith.subf %gather3A_690, %gather3A_689 : vector<16xf32>
    %swap3A_694 = arith.constant 1248 : index
    %swap3A_695 = tpu.vector_load %arg12[%swap3A_694] {strides = array<i32>} : memref<2048xf32, #tpu.memory_space<vmem>>, vector<16xf32>,
    tpu.vector_store %arg12[%swap3A_694], %sub3A_693 {strides = array<i32>} : memref<2048xf32, #tpu.memory_space<vmem>>, vector<16xf32>,
    %broadcast_in_dim3A_696 = arith.constant 1 : i32
    %broadcast_in_dim3A_697 = vector.broadcast %broadcast_in_dim3A_696 : i32 to vector<16xi32>
    %gather3A_698 = tpu.vector_load_idx %arg9[%add3A_677, %broadcast_in_dim3A_697] : memref<256x3xf32, #tpu.memory_space<vmem>>[vector<16xi32>, vector<16xi32>], vector<16xf32>,
    %gather3A_699 = tpu.vector_load_idx %arg9[%min3A_683, %broadcast_in_dim3A_697] : memref<256x3xf32, #tpu.memory_space<vmem>>[vector<16xi32>, vector<16xi32>], vector<16xf32>,
    %swap3A_700 = arith.constant 480 : index
    %swap3A_701 = tpu.vector_load %arg12[%swap3A_700] {strides = array<i32>} : memref<2048xf32, #tpu.memory_space<vmem>>, vector<16xf32>,
    tpu.vector_store %arg12[%swap3A_700], %gather3A_698 {strides = array<i32>} : memref<2048xf32, #tpu.memory_space<vmem>>, vector<16xf32>,
    %sub3A_702 = arith.subf %gather3A_699, %gather3A_698 : vector<16xf32>
    %swap3A_703 = arith.constant 1504 : index
    %swap3A_704 = tpu.vector_load %arg12[%swap3A_703] {strides = array<i32>} : memref<2048xf32, #tpu.memory_space<vmem>>, vector<16xf32>,
    tpu.vector_store %arg12[%swap3A_703], %sub3A_702 {strides = array<i32>} : memref<2048xf32, #tpu.memory_space<vmem>>, vector<16xf32>,
    %broadcast_in_dim3A_705 = arith.constant 2 : i32
    %broadcast_in_dim3A_706 = vector.broadcast %broadcast_in_dim3A_705 : i32 to vector<16xi32>
    %gather3A_707 = tpu.vector_load_idx %arg9[%add3A_677, %broadcast_in_dim3A_706] : memref<256x3xf32, #tpu.memory_space<vmem>>[vector<16xi32>, vector<16xi32>], vector<16xf32>,
    %gather3A_708 = tpu.vector_load_idx %arg9[%min3A_683, %broadcast_in_dim3A_706] : memref<256x3xf32, #tpu.memory_space<vmem>>[vector<16xi32>, vector<16xi32>], vector<16xf32>,
    %swap3A_709 = arith.constant 736 : index
    %swap3A_710 = tpu.vector_load %arg12[%swap3A_709] {strides = array<i32>} : memref<2048xf32, #tpu.memory_space<vmem>>, vector<16xf32>,
    tpu.vector_store %arg12[%swap3A_709], %gather3A_707 {strides = array<i32>} : memref<2048xf32, #tpu.memory_space<vmem>>, vector<16xf32>,
    %sub3A_711 = arith.subf %gather3A_708, %gather3A_707 : vector<16xf32>
    %swap3A_712 = arith.constant 1760 : index
    %swap3A_713 = tpu.vector_load %arg12[%swap3A_712] {strides = array<i32>} : memref<2048xf32, #tpu.memory_space<vmem>>, vector<16xf32>,
    tpu.vector_store %arg12[%swap3A_712], %sub3A_711 {strides = array<i32>} : memref<2048xf32, #tpu.memory_space<vmem>>, vector<16xf32>,
    %swap3A_714 = arith.constant 992 : index
    %swap3A_715 = tpu.vector_load %arg12[%swap3A_714] {strides = array<i32>} : memref<2048xf32, #tpu.memory_space<vmem>>, vector<16xf32>,
    tpu.vector_store %arg12[%swap3A_714], %get3A_685 {strides = array<i32>} : memref<2048xf32, #tpu.memory_space<vmem>>, vector<16xf32>,
    %sub3A_716 = arith.subf %gather3A_686, %get3A_685 : vector<16xf32>
    %swap3A_717 = arith.constant 2016 : index
    %swap3A_718 = tpu.vector_load %arg12[%swap3A_717] {strides = array<i32>} : memref<2048xf32, #tpu.memory_space<vmem>>, vector<16xf32>,
    tpu.vector_store %arg12[%swap3A_717], %sub3A_716 {strides = array<i32>} : memref<2048xf32, #tpu.memory_space<vmem>>, vector<16xf32>,
    %add3A_719 = arith.constant 240 : i32
    %add3A_720 = vector.broadcast %add3A_719 : i32 to vector<16xi32>
    %add3A_721 = arith.addi %iota3A, %add3A_720 : vector<16xi32>
    %add3A_722 = arith.constant 1 : i32
    %add3A_723 = vector.broadcast %add3A_722 : i32 to vector<16xi32>
    %add3A_724 = arith.addi %add3A_721, %add3A_723 : vector<16xi32>
    %min3A_725 = arith.constant 255 : i32
    %min3A_726 = vector.broadcast %min3A_725 : i32 to vector<16xi32>
    %min3A_727 = arith.minsi %add3A_724, %min3A_726 : vector<16xi32>
    %get3A_728 = arith.constant 240 : index
    %get3A_729 = tpu.vector_load %arg8[%get3A_728] {strides = array<i32>} : memref<256xf32, #tpu.memory_space<vmem>>, vector<16xf32>,
    %gather3A_730 = tpu.vector_load_idx %arg8[%min3A_727] : memref<256xf32, #tpu.memory_space<vmem>>[vector<16xi32>], vector<16xf32>,
    %broadcast_in_dim3A_731 = arith.constant 0 : i32
    %broadcast_in_dim3A_732 = vector.broadcast %broadcast_in_dim3A_731 : i32 to vector<16xi32>
    %gather3A_733 = tpu.vector_load_idx %arg9[%add3A_721, %broadcast_in_dim3A_732] : memref<256x3xf32, #tpu.memory_space<vmem>>[vector<16xi32>, vector<16xi32>], vector<16xf32>,
    %gather3A_734 = tpu.vector_load_idx %arg9[%min3A_727, %broadcast_in_dim3A_732] : memref<256x3xf32, #tpu.memory_space<vmem>>[vector<16xi32>, vector<16xi32>], vector<16xf32>,
    %swap3A_735 = arith.constant 240 : index
    %swap3A_736 = tpu.vector_load %arg12[%swap3A_735] {strides = array<i32>} : memref<2048xf32, #tpu.memory_space<vmem>>, vector<16xf32>,
    tpu.vector_store %arg12[%swap3A_735], %gather3A_733 {strides = array<i32>} : memref<2048xf32, #tpu.memory_space<vmem>>, vector<16xf32>,
    %sub3A_737 = arith.subf %gather3A_734, %gather3A_733 : vector<16xf32>
    %swap3A_738 = arith.constant 1264 : index
    %swap3A_739 = tpu.vector_load %arg12[%swap3A_738] {strides = array<i32>} : memref<2048xf32, #tpu.memory_space<vmem>>, vector<16xf32>,
    tpu.vector_store %arg12[%swap3A_738], %sub3A_737 {strides = array<i32>} : memref<2048xf32, #tpu.memory_space<vmem>>, vector<16xf32>,
    %broadcast_in_dim3A_740 = arith.constant 1 : i32
    %broadcast_in_dim3A_741 = vector.broadcast %broadcast_in_dim3A_740 : i32 to vector<16xi32>
    %gather3A_742 = tpu.vector_load_idx %arg9[%add3A_721, %broadcast_in_dim3A_741] : memref<256x3xf32, #tpu.memory_space<vmem>>[vector<16xi32>, vector<16xi32>], vector<16xf32>,
    %gather3A_743 = tpu.vector_load_idx %arg9[%min3A_727, %broadcast_in_dim3A_741] : memref<256x3xf32, #tpu.memory_space<vmem>>[vector<16xi32>, vector<16xi32>], vector<16xf32>,
    %swap3A_744 = arith.constant 496 : index
    %swap3A_745 = tpu.vector_load %arg12[%swap3A_744] {strides = array<i32>} : memref<2048xf32, #tpu.memory_space<vmem>>, vector<16xf32>,
    tpu.vector_store %arg12[%swap3A_744], %gather3A_742 {strides = array<i32>} : memref<2048xf32, #tpu.memory_space<vmem>>, vector<16xf32>,
    %sub3A_746 = arith.subf %gather3A_743, %gather3A_742 : vector<16xf32>
    %swap3A_747 = arith.constant 1520 : index
    %swap3A_748 = tpu.vector_load %arg12[%swap3A_747] {strides = array<i32>} : memref<2048xf32, #tpu.memory_space<vmem>>, vector<16xf32>,
    tpu.vector_store %arg12[%swap3A_747], %sub3A_746 {strides = array<i32>} : memref<2048xf32, #tpu.memory_space<vmem>>, vector<16xf32>,
    %broadcast_in_dim3A_749 = arith.constant 2 : i32
    %broadcast_in_dim3A_750 = vector.broadcast %broadcast_in_dim3A_749 : i32 to vector<16xi32>
    %gather3A_751 = tpu.vector_load_idx %arg9[%add3A_721, %broadcast_in_dim3A_750] : memref<256x3xf32, #tpu.memory_space<vmem>>[vector<16xi32>, vector<16xi32>], vector<16xf32>,
    %gather3A_752 = tpu.vector_load_idx %arg9[%min3A_727, %broadcast_in_dim3A_750] : memref<256x3xf32, #tpu.memory_space<vmem>>[vector<16xi32>, vector<16xi32>], vector<16xf32>,
    %swap3A_753 = arith.constant 752 : index
    %swap3A_754 = tpu.vector_load %arg12[%swap3A_753] {strides = array<i32>} : memref<2048xf32, #tpu.memory_space<vmem>>, vector<16xf32>,
    tpu.vector_store %arg12[%swap3A_753], %gather3A_751 {strides = array<i32>} : memref<2048xf32, #tpu.memory_space<vmem>>, vector<16xf32>,
    %sub3A_755 = arith.subf %gather3A_752, %gather3A_751 : vector<16xf32>
    %swap3A_756 = arith.constant 1776 : index
    %swap3A_757 = tpu.vector_load %arg12[%swap3A_756] {strides = array<i32>} : memref<2048xf32, #tpu.memory_space<vmem>>, vector<16xf32>,
    tpu.vector_store %arg12[%swap3A_756], %sub3A_755 {strides = array<i32>} : memref<2048xf32, #tpu.memory_space<vmem>>, vector<16xf32>,
    %swap3A_758 = arith.constant 1008 : index
    %swap3A_759 = tpu.vector_load %arg12[%swap3A_758] {strides = array<i32>} : memref<2048xf32, #tpu.memory_space<vmem>>, vector<16xf32>,
    tpu.vector_store %arg12[%swap3A_758], %get3A_729 {strides = array<i32>} : memref<2048xf32, #tpu.memory_space<vmem>>, vector<16xf32>,
    %sub3A_760 = arith.subf %gather3A_730, %get3A_729 : vector<16xf32>
    %swap3A_761 = arith.constant 2032 : index
    %swap3A_762 = tpu.vector_load %arg12[%swap3A_761] {strides = array<i32>} : memref<2048xf32, #tpu.memory_space<vmem>>, vector<16xf32>,
    tpu.vector_store %arg12[%swap3A_761], %sub3A_760 {strides = array<i32>} : memref<2048xf32, #tpu.memory_space<vmem>>, vector<16xf32>,
    %mul3A = arith.constant 2 : i32
    %mul3A_763 = arith.muli %arg1, %mul3A : i32
    %add3A_764 = arith.addi %mul3A_763, %arg0 : i32
    %mul3A_765 = arith.constant 524288 : i32
    %mul3A_766 = arith.muli %add3A_764, %mul3A_765 : i32
    %mul3A_767 = arith.constant 4 : i32
    %mul3A_768 = vector.broadcast %mul3A_767 : i32 to vector<16xi32>
    %mul3A_769 = arith.muli %iota3A, %mul3A_768 : vector<16xi32>
    %scan3A = arith.constant 0 : i32
    %scan3A_770 = arith.constant 0 : i32
    %scan3A_771 = arith.constant 128 : i32
    %scan3A_772 = arith.addi %scan3A_770, %scan3A_771 : i32
    %scan3A_773 = arith.constant 1 : i32
    scf.for %scan3A_775 = %scan3A_770 to %scan3A_772 step %scan3A_773  : i32 {
      %mul3A_776 = arith.constant 4096 : i32
      %mul3A_777 = arith.muli %scan3A_775, %mul3A_776 : i32
      %add3A_778 = arith.addi %mul3A_766, %mul3A_777 : i32
      "tpu.region"() ({
        %run_scoped3A = tpu.sem_alloc : memref<!tpu.dma_semaphore, #tpu.memory_space<semaphore_mem>>
        %dma_start3A = tpu.memref_slice %arg2[%add3A_778] : memref<16777216xf32, #tpu.memory_space<hbm>> -> memref<4096xf32, #tpu.memory_space<hbm>>
        %dma_start3A_787 = tpu.memref_slice %arg2[%add3A_778] : memref<16777216xf32, #tpu.memory_space<hbm>> -> memref<4096xf32, #tpu.memory_space<hbm>>
        tpu.enqueue_dma source(%dma_start3A_787 : memref<4096xf32, #tpu.memory_space<hbm>>) target(%arg13 : memref<4096xf32, #tpu.memory_space<vmem>>) target_semaphore(%run_scoped3A : memref<!tpu.dma_semaphore, #tpu.memory_space<semaphore_mem>>)
        %dma_wait3A = tpu.memref_slice %arg2[%add3A_778] : memref<16777216xf32, #tpu.memory_space<hbm>> -> memref<4096xf32, #tpu.memory_space<hbm>>
        %dma_wait3A_788 = tpu.memref_slice %arg2[%add3A_778] : memref<16777216xf32, #tpu.memory_space<hbm>> -> memref<4096xf32, #tpu.memory_space<hbm>>
        tpu.wait_dma2 semaphore(%run_scoped3A : memref<!tpu.dma_semaphore, #tpu.memory_space<semaphore_mem>>) src(%dma_wait3A_788 : memref<4096xf32, #tpu.memory_space<hbm>>) dst(%arg13 : memref<4096xf32, #tpu.memory_space<vmem>>)
        tpu.yield
      }) : () -> ()
      %scan3A_779 = arith.constant 0 : i32
      %scan3A_780 = arith.constant 0 : i32
      %scan3A_781 = arith.constant 256 : i32
      %scan3A_782 = arith.addi %scan3A_780, %scan3A_781 : i32
      %scan3A_783 = arith.constant 1 : i32
      scf.for %scan3A_787 = %scan3A_780 to %scan3A_782 step %scan3A_783  : i32 {
        %mul3A_788 = arith.constant 16 : i32
        %mul3A_789 = arith.muli %scan3A_787, %mul3A_788 : i32
        %get3A_790 = arith.index_cast %mul3A_789 : i32 to index
        %get3A_791 = tpu.vector_load %arg13[%get3A_790] {strides = array<i32>} : memref<4096xf32, #tpu.memory_space<vmem>>, vector<16xf32>,
        %mul3A_792 = arith.constant 2.550000e+02 : f32
        %mul3A_793 = vector.broadcast %mul3A_792 : f32 to vector<16xf32>
        %mul3A_794 = arith.mulf %get3A_791, %mul3A_793 : vector<16xf32>
        %jit3A = arith.constant 0.000000e+00 : f32
        %jit3A_795 = arith.constant 2.550000e+02 : f32
        %max3A = vector.broadcast %jit3A : f32 to vector<16xf32>
        %max3A_796 = arith.maximumf %max3A, %mul3A_794 : vector<16xf32>
        %min3A_797 = vector.broadcast %jit3A_795 : f32 to vector<16xf32>
        %min3A_798 = arith.minimumf %min3A_797, %max3A_796 : vector<16xf32>
        %convert_element_type3A = arith.fptosi %min3A_798 : vector<16xf32> to vector<16xi32>
        %convert_element_type3A_799 = arith.sitofp %convert_element_type3A : vector<16xi32> to vector<16xf32>
        %sub3A_800 = arith.subf %min3A_798, %convert_element_type3A_799 : vector<16xf32>
        %gather3A_801 = tpu.vector_load_idx %arg12[%convert_element_type3A] : memref<2048xf32, #tpu.memory_space<vmem>>[vector<16xi32>], vector<16xf32>,
        %add3A_802 = arith.constant 256 : i32
        %add3A_803 = vector.broadcast %add3A_802 : i32 to vector<16xi32>
        %add3A_804 = arith.addi %convert_element_type3A, %add3A_803 : vector<16xi32>
        %gather3A_805 = tpu.vector_load_idx %arg12[%add3A_804] : memref<2048xf32, #tpu.memory_space<vmem>>[vector<16xi32>], vector<16xf32>,
        %add3A_806 = arith.constant 512 : i32
        %add3A_807 = vector.broadcast %add3A_806 : i32 to vector<16xi32>
        %add3A_808 = arith.addi %convert_element_type3A, %add3A_807 : vector<16xi32>
        %gather3A_809 = tpu.vector_load_idx %arg12[%add3A_808] : memref<2048xf32, #tpu.memory_space<vmem>>[vector<16xi32>], vector<16xf32>,
        %add3A_810 = arith.constant 768 : i32
        %add3A_811 = vector.broadcast %add3A_810 : i32 to vector<16xi32>
        %add3A_812 = arith.addi %convert_element_type3A, %add3A_811 : vector<16xi32>
        %gather3A_813 = tpu.vector_load_idx %arg12[%add3A_812] : memref<2048xf32, #tpu.memory_space<vmem>>[vector<16xi32>], vector<16xf32>,
        %add3A_814 = arith.constant 1024 : i32
        %add3A_815 = vector.broadcast %add3A_814 : i32 to vector<16xi32>
        %add3A_816 = arith.addi %convert_element_type3A, %add3A_815 : vector<16xi32>
        %gather3A_817 = tpu.vector_load_idx %arg12[%add3A_816] : memref<2048xf32, #tpu.memory_space<vmem>>[vector<16xi32>], vector<16xf32>,
        %add3A_818 = arith.constant 1280 : i32
        %add3A_819 = vector.broadcast %add3A_818 : i32 to vector<16xi32>
        %add3A_820 = arith.addi %convert_element_type3A, %add3A_819 : vector<16xi32>
        %gather3A_821 = tpu.vector_load_idx %arg12[%add3A_820] : memref<2048xf32, #tpu.memory_space<vmem>>[vector<16xi32>], vector<16xf32>,
        %add3A_822 = arith.constant 1536 : i32
        %add3A_823 = vector.broadcast %add3A_822 : i32 to vector<16xi32>
        %add3A_824 = arith.addi %convert_element_type3A, %add3A_823 : vector<16xi32>
        %gather3A_825 = tpu.vector_load_idx %arg12[%add3A_824] : memref<2048xf32, #tpu.memory_space<vmem>>[vector<16xi32>], vector<16xf32>,
        %add3A_826 = arith.constant 1792 : i32
        %add3A_827 = vector.broadcast %add3A_826 : i32 to vector<16xi32>
        %add3A_828 = arith.addi %convert_element_type3A, %add3A_827 : vector<16xi32>
        %gather3A_829 = tpu.vector_load_idx %arg12[%add3A_828] : memref<2048xf32, #tpu.memory_space<vmem>>[vector<16xi32>], vector<16xf32>,
        %mul3A_830 = arith.constant 64 : i32
        %mul3A_831 = arith.muli %scan3A_787, %mul3A_830 : i32
        %add3A_832 = vector.broadcast %mul3A_831 : i32 to vector<16xi32>
        %add3A_833 = arith.addi %mul3A_769, %add3A_832 : vector<16xi32>
        %mul3A_834 = arith.mulf %sub3A_800, %gather3A_817 : vector<16xf32>
        %add3A_835 = arith.addf %gather3A_801, %mul3A_834 : vector<16xf32>
        tpu.vector_store_idx %arg14[%add3A_833], %add3A_835 : memref<16384xf32, #tpu.memory_space<vmem>>[vector<16xi32>], vector<16xf32>,
        %add3A_836 = arith.constant 1 : i32
        %add3A_837 = vector.broadcast %add3A_836 : i32 to vector<16xi32>
        %add3A_838 = arith.addi %add3A_833, %add3A_837 : vector<16xi32>
        %mul3A_839 = arith.mulf %sub3A_800, %gather3A_821 : vector<16xf32>
        %add3A_840 = arith.addf %gather3A_805, %mul3A_839 : vector<16xf32>
        tpu.vector_store_idx %arg14[%add3A_838], %add3A_840 : memref<16384xf32, #tpu.memory_space<vmem>>[vector<16xi32>], vector<16xf32>,
        %add3A_841 = arith.constant 2 : i32
        %add3A_842 = vector.broadcast %add3A_841 : i32 to vector<16xi32>
        %add3A_843 = arith.addi %add3A_833, %add3A_842 : vector<16xi32>
        %mul3A_844 = arith.mulf %sub3A_800, %gather3A_825 : vector<16xf32>
        %add3A_845 = arith.addf %gather3A_809, %mul3A_844 : vector<16xf32>
        tpu.vector_store_idx %arg14[%add3A_843], %add3A_845 : memref<16384xf32, #tpu.memory_space<vmem>>[vector<16xi32>], vector<16xf32>,
        %add3A_846 = arith.constant 3 : i32
        %add3A_847 = vector.broadcast %add3A_846 : i32 to vector<16xi32>
        %add3A_848 = arith.addi %add3A_833, %add3A_847 : vector<16xi32>
        %mul3A_849 = arith.mulf %sub3A_800, %gather3A_829 : vector<16xf32>
        %add3A_850 = arith.addf %gather3A_813, %mul3A_849 : vector<16xf32>
        tpu.vector_store_idx %arg14[%add3A_848], %add3A_850 : memref<16384xf32, #tpu.memory_space<vmem>>[vector<16xi32>], vector<16xf32>,
      }
      %scan3A_784 = arith.constant 256 : i32
      %mul3A_785 = arith.constant 4 : i32
      %mul3A_786 = arith.muli %add3A_778, %mul3A_785 : i32
      "tpu.region"() ({
        %run_scoped3A = tpu.sem_alloc : memref<!tpu.dma_semaphore, #tpu.memory_space<semaphore_mem>>
        %dma_start3A = tpu.memref_slice %arg7[%mul3A_786] : memref<67108864xf32, #tpu.memory_space<hbm>> -> memref<16384xf32, #tpu.memory_space<hbm>>
        %dma_start3A_787 = tpu.memref_slice %arg7[%mul3A_786] : memref<67108864xf32, #tpu.memory_space<hbm>> -> memref<16384xf32, #tpu.memory_space<hbm>>
        tpu.enqueue_dma source(%arg14 : memref<16384xf32, #tpu.memory_space<vmem>>) target(%dma_start3A_787 : memref<16384xf32, #tpu.memory_space<hbm>>) target_semaphore(%run_scoped3A : memref<!tpu.dma_semaphore, #tpu.memory_space<semaphore_mem>>)
        %dma_wait3A = tpu.memref_slice %arg7[%mul3A_786] : memref<67108864xf32, #tpu.memory_space<hbm>> -> memref<16384xf32, #tpu.memory_space<hbm>>
        %dma_wait3A_788 = tpu.memref_slice %arg7[%mul3A_786] : memref<67108864xf32, #tpu.memory_space<hbm>> -> memref<16384xf32, #tpu.memory_space<hbm>>
        tpu.wait_dma2 semaphore(%run_scoped3A : memref<!tpu.dma_semaphore, #tpu.memory_space<semaphore_mem>>) src(%arg14 : memref<16384xf32, #tpu.memory_space<vmem>>) dst(%dma_wait3A_788 : memref<16384xf32, #tpu.memory_space<hbm>>)
        tpu.yield
      }) : () -> ()
    }
    %scan3A_774 = arith.constant 128 : i32
    return
  }
}

</mosaic_0001>

<sc_bundles>
// kernel: kernel.3.cloned.1.call-start
scs
__scs_entry_jumppad:
0x0: {  	(pc) =	sbr.rel $0x88, $3  }
0x1: {  	(tag) =	ssettag $0x0;
	lr =	simm.s32 $0x1  }
0x2: {  	[smem:$0x3F9C] =	sst lr;
	_ =	strace $0xD0000000  }
0x3: {  	_ = 	snop  }
0x4: {  	_ = 	snop  }
0x5: {  	_ = 	snop  }
0x6: {  	_ = 	snop  }
0x7: {  	_ = 	snop  }
__scs_overlays_trampoline_lowered:
0x8: {  	[smem:$0x3FAB] =	sst s0  }
0x9: {  	[smem:$0x3FAC] =	sst s1  }
0xa: {  	[smem:$0x3FAD] =	sst s2  }
0xb: {  	[smem:$0x3FAE] =	sst s3  }
0xc: {  	[smem:$0x3FAF] =	sst s4  }
0xd: {  	[smem:$0x3FB0] =	sst s5  }
0xe: {  	[smem:$0x3FB1] =	sst s6  }
0xf: {  	[smem:$0x3FB2] =	sst s7  }
0x10: {  	[smem:$0x3FB3] =	sst s8  }
0x11: {  	[smem:$0x3FB4] =	sst s9;
	s0 =	simm.s32 @!p0 $0x0  }
0x12: {  	s1 =	sld [smem:$0x3F9A];
	s0 =	simm.s32 @p0 $0x1  }
0x13: {  	[smem:$0x3FB5] =	sst s0;
	s0 =	simm.s32 @!p1 $0x0  }
0x14: {  	s2 =	sld [smem:$0x3F99];
	s0 =	simm.s32 @p1 $0x1  }
0x15: {  	[smem:$0x3FB6] =	sst s0;
	s0 =	simm.s32 @!p2 $0x0  }
0x16: {  	s3 =	sld [smem:$0x3FDB];
	s0 =	simm.s32 @p2 $0x1  }
0x17: {  	s4 =	simm.s32 $0x1BF5;
	[smem:$0x3FB8] =	sst s0  }
0x18: {  	s0 =	sld [smem:$0x3F9B];
	_ =	swait.ge [sflag:s4], $0x0  }
0x19: {  	s7 =	sld [smem:$0x3F9C]  }
0x1a: {  	s8 =	sadd.s32 $0xFFFFE003, lr  }
0x1b: {  	s9 =	sadd.s32 $0xFFFFFEF7, lr;
	s5 =	simm.s32 $0xFFFFFFFF;
	p2 =	slt.u32 s8, $0xFFFFF086  }
0x1c: {  	p1 =	slt.u32 s9, $0xF7A;
	s5 =	simm.s32 @!p2 $0x0  }
0x1d: {  	s5 =	simm.s32 @p1 $0x1;
	p0 =	seq.s32 s7, s2  }
0x1e: {  	s7 =	smul.u32 @!p0 $0xF7A, s2;
	p2 =	seq.s32 @!p0 s5, $0x0  }
0x1f: {  	s9 =	smul.u32 $0xF7A, s1;
	s8 =	simm.s32 @!p0 $0x1BF5;
	p2 =	por !p2, p0  }
0x20: {  	[sflag:s8] =	ssyncset.s32 @!p0 $0xFFFFF086;
	s6 =	sadd.s32 @!p0 s3, s7;
	s7 =	simm.s32 @!p0 $0x108  }
0x21: {  	s3 =	sadd.s32 s3, s9;
	s6 =	sadd.s32 @!p0 $0x88, s6;
	s7 =	simm.s32 @p2 $0x1082  }
0x22: {  	[simem:s7], [sflag:s8] =	dma.local @!p0 [hbm:s6], $0xF7A  }
0x23: {  	s9 =	sor.u32 $0xD0000000, s2;
	s6 =	simm.s32 $0x108;
	_ =	swait.ge @!p0 [sflag:s8], $0x0  }
0x24: {  	s3 =	sadd.s32 $0x88, s3;
	s6 =	simm.s32 @!p1 $0x1082;
	[sflag:s4] =	ssyncset.s32 $0xFFFFF086  }
0x25: {  	[simem:s6], [sflag:s4] =	dma.local [hbm:s3], $0xF7A  }
0x26: {  	[smem:$0x3F9C] =	sst s1;
	(tag) =	ssettag s2;
	_ =	strace s9  }
0x27: {  	s1 =	sld [smem:$0x3FAC]  }
0x28: {  	s2 =	sld [smem:$0x3FAD]  }
0x29: {  	s4 =	sld [smem:$0x3FAF]  }
0x2a: {  	p0 =	seq.s32 s5, $0x0;
	s5 =	sld [smem:$0x3FB0]  }
0x2b: {  	s6 =	sld [smem:$0x3FB1]  }
0x2c: {  	s7 =	sld [smem:$0x3FB2]  }
0x2d: {  	s3 =	simm.s32 $0x108;
	s8 =	sld [smem:$0x3FB3]  }
0x2e: {  	s3 =	simm.s32 @!p0 $0x1082;
	s9 =	sld [smem:$0x3FB4]  }
0x2f: {  	lr =	sadd.s32 s0, s3;
	s0 =	sld [smem:$0x3FAB]  }
0x30: {  	s3 =	sld [smem:$0x3FAE]  }
0x31: {  	[smem:$0x3FB7] =	sst s10  }
0x32: {  	s10 =	sld [smem:$0x3FB5];
	_ =	sdelay $0x3  }
0x33: {  	p0 =	seq.s32 s10, $0x1;
	s10 =	sld [smem:$0x3FB7];
	_ =	sdelay $0x3  }
0x34: {  	[smem:$0x3FB7] =	sst s10  }
0x35: {  	s10 =	sld [smem:$0x3FB6];
	_ =	sdelay $0x3  }
0x36: {  	p1 =	seq.s32 s10, $0x1;
	s10 =	sld [smem:$0x3FB7];
	_ =	sdelay $0x3  }
0x37: {  	[smem:$0x3FB7] =	sst s10  }
0x38: {  	s10 =	sld [smem:$0x3FB8]  }
0x39: {  	_ = 	snop;
	(pc) =	sbr.ind lr, $3  }
0x3a: {  	_ = 	snop  }
0x3b: {  	_ = 	snop  }
0x3c: {  	p2 =	seq.s32 s10, $0x1;
	s10 =	sld [smem:$0x3FB7]  }
0x3d: {  	_ =	shalt  }
0x3e: {  	_ =	shalt  }
0x3f: {  	_ =	shalt  }
0x40: {  	_ =	shalt  }
0x41: {  	_ =	shalt  }
0x42: {  	_ =	shalt  }
0x43: {  	_ =	shalt  }
0x44: {  	_ =	shalt  }
0x45: {  	_ =	shalt  }
0x46: {  	_ =	shalt  }
0x47: {  	_ =	shalt  }
0x48: {  	_ =	shalt  }
0x49: {  	_ =	shalt  }
0x4a: {  	_ =	shalt  }
0x4b: {  	_ =	shalt  }
0x4c: {  	_ =	shalt  }
0x4d: {  	_ =	shalt  }
0x4e: {  	_ =	shalt  }
0x4f: {  	_ =	shalt  }
0x50: {  	_ =	shalt  }
0x51: {  	_ =	shalt  }
0x52: {  	_ =	shalt  }
0x53: {  	_ =	shalt  }
0x54: {  	_ =	shalt  }
0x55: {  	_ =	shalt  }
0x56: {  	_ =	shalt  }
0x57: {  	_ =	shalt  }
0x58: {  	_ =	shalt  }
0x59: {  	_ =	shalt  }
0x5a: {  	_ =	shalt  }
0x5b: {  	_ =	shalt  }
0x5c: {  	_ =	shalt  }
0x5d: {  	_ =	shalt  }
0x5e: {  	_ =	shalt  }
0x5f: {  	_ =	shalt  }
0x60: {  	_ =	shalt  }
0x61: {  	_ =	shalt  }
0x62: {  	_ =	shalt  }
0x63: {  	_ =	shalt  }
0x64: {  	_ =	shalt  }
0x65: {  	_ =	shalt  }
0x66: {  	_ =	shalt  }
0x67: {  	_ =	shalt  }
0x68: {  	_ =	shalt  }
0x69: {  	_ =	shalt  }
0x6a: {  	_ =	shalt  }
0x6b: {  	_ =	shalt  }
0x6c: {  	_ =	shalt  }
0x6d: {  	_ =	shalt  }
0x6e: {  	_ =	shalt  }
0x6f: {  	_ =	shalt  }
0x70: {  	_ =	shalt  }
0x71: {  	_ =	shalt  }
0x72: {  	_ =	shalt  }
0x73: {  	_ =	shalt  }
0x74: {  	_ =	shalt  }
0x75: {  	_ =	shalt  }
0x76: {  	_ =	shalt  }
0x77: {  	_ =	shalt  }
0x78: {  	_ =	shalt  }
0x79: {  	_ =	shalt  }
0x7a: {  	_ =	shalt  }
0x7b: {  	_ =	shalt  }
0x7c: {  	_ =	shalt  }
0x7d: {  	_ =	shalt  }
0x7e: {  	_ =	shalt  }
0x7f: {  	_ =	shalt  }
0x80: {  	_ =	shalt  }
0x81: {  	_ =	shalt  }
0x82: {  	_ =	shalt  }
0x83: {  	_ =	shalt  }
0x84: {  	_ =	shalt  }
0x85: {  	_ =	shalt  }
0x86: {  	_ =	shalt  }
0x87: {  	_ =	shalt  }
.Lfunc_end0:
.L_simem_size_0:
called_computation.1_lowered:
.L_overlay_start_0:
0x88: {  	s2 =	sld [smem:$0x3FD9]  }
0x89: {  	s3 =	sld [smem:$0x3FFE];
	_ =	sdelay $0x1  }
0x8a: {  	s1 =	srdreg.scid  }
0x8b: {  	s0 =	sand.u32 $0x1, s1  }
0x8c: {  	s17 =	sshll.u32 s0, $0xA;
	s2 =	sadd.s32 s3, s2  }
0x8d: {  	s2 =	sadd.s32 s2, s17  }
0x8e: {  	[smem:$0x3FC3] =	sst s2  }
0x8f: {  	_ = 	snop  }
0x90: {  	s2 =	sld [smem:$0x3FC9]  }
0x91: {  	s18 =	sld [smem:$0x3FC8]  }
0x92: {  	s4 =	sld [smem:$0x3FC7]  }
0x93: {  	s5 =	sld [smem:$0x3FC5]  }
0x94: {  	s6 =	sld [smem:$0x3FD0];
	(tm) =	ssettm $0x1  }
0x95: {  	s7 =	sld [smem:$0x3FFB];
	_ =	sdelay $0x3  }
0x96: {  	_ =	strace s7  }
0x97: {  	s7 =	sld [smem:$0x3FFC];
	_ =	sdelay $0x3  }
0x98: {  	_ =	strace s7  }
0x99: {  	s7 =	sld [smem:$0x3FFD];
	_ =	sdelay $0x3  }
0x9a: {  	_ =	strace s7  }
0x9b: {  	_ =	strace $0x8FFFFFFF  }
0x9c: {  	s19 =	sld [smem:$0x3FDB];
	_ =	sdelay $0x1  }
0x9d: {  	s8 =	simm.s32 $_scs_section_size  }
0x9e: {  	s9 =	simm.s32 $_size__tile_overlayer_lowered;
	s10 =	simm.s32 $_tile_overlayer_lowered  }
0x9f: {  	s22 =	simm.s32 $0x1BFF;
	s21 =	sshll.u32 s10, $0x1;
	s7 =	sadd.s32 s8, s19  }
0xa0: {  	s11 =	simm.s32 $0x0;
	s20 =	sshll.u32 s9, $0x1;
	s9 =	sadd.s32 s21, s7  }
0xa1: {  	[timem:s11], [sflag:s22] =	dma.local [hbm:s9], s20  }
0xa2: {  	_ =	swait.ge [sflag:s22], s20  }
0xa3: {  	s8 =	ssub.s32 $0x0, s20;
	[sflag:s22] =	ssyncset.done $0x0  }
0xa4: {  	[sflag:s22] =	ssyncadd.s32 s8;
	_ =	sdelay $0x1  }
0xa5: {  	s23 =	simm.s32 $0x1B8B  }
0xa6: {  	_ =	swait.ge [sflag:s23], $0x1  }
0xa7: {  	[sflag:s23] =	ssyncset.done $0x0  }
0xa8: {  	s25 =	simm.s32 $0x1B8E;
	s24 =	sld [smem:$0x3FFE];
	[sflag:s23] =	ssyncadd.s32 $0xFFFFFFFF  }
0xa9: {  	s26 =	simm.s32 $execute0_lowered;
	[smem:$0x3FD2] =	sst s25  }
0xaa: {  	s9 =	sshll.u32 s26, $0x1;
	_ =	strace $0x80000046;
	[dreg:$0x1] =	wrdreg $0xFFFFFFFF  }
0xab: {  	s28 =	simm.s32 $_size_execute0_lowered;
	s7 =	sadd.s32 s7, s9;
	[dreg:$0x0] =	wrdreg $0x0  }
0xac: {  	s9 =	sshll.u32 s28, $0x1;
	[dreg:$0x2] =	wrdreg s7  }
0xad: {  	[dreg:$0x3] =	wrdreg s9  }
0xae: {  	[dreg:$0x4] =	wrdreg $0xC0  }
0xaf: {  	_ =	task [dreg:s11], $0x5FFFF  }
0xb0: {  	[dreg:$0x1] =	wrdreg $0xFFFFFFFF  }
0xb1: {  	[dreg:$0x0] =	wrdreg $0x60  }
0xb2: {  	[dreg:$0x2] =	wrdreg s2  }
0xb3: {  	[dreg:$0x3] =	wrdreg s18  }
0xb4: {  	[dreg:$0x4] =	wrdreg s4  }
0xb5: {  	[dreg:$0x5] =	wrdreg s24  }
0xb6: {  	[dreg:$0x6] =	wrdreg s5  }
0xb7: {  	[dreg:$0x7] =	wrdreg s6  }
0xb8: {  	[dreg:$0x8] =	wrdreg $0x9  }
0xb9: {  	_ =	task.clear_ibuf [dreg:s11], $0x9FFFF;
	_ =	strace $0x90000046  }
0xba: {  	s29 =	simm.s32 $0x9;
	_ =	strace $0x80000048  }
0xbb: {  	_ =	swait.ge [sflag:s29], $0x1  }
0xbc: {  	[sflag:s29] =	ssyncadd.s32 $0xFFFFFFFF  }
0xbd: {  	_ =	strace $0x90000048  }
0xbe: {  	_ =	sfence  }
0xbf: {  	s30 =	sld [smem:$0x0];
	_ =	sdelay $0x2  }
0xc0: {  	s31 =	sshll.u32 s1, $0xD;
	s1 =	sshrl.u32 s1, $0x2  }
0xc1: {  	s3 =	sand.u32 $0x4000, s31;
	s1 =	sadd.s32 s1, s30  }
0xc2: {  	s0 =	sor.u32 s3, s0;
	s1 =	sshll.u32 s1, $0x11  }
0xc3: {  	s0 =	sor.u32 s1, s0  }
0xc4: {  	s0 =	sadd.s32 $0x8F2B, s0  }
0xc5: {  	[sflag:s0] =	ssyncadd.remote.s32 $0x1  }
0xc6: {  	_ =	sfence.sel $0xFFFF  }
0xc7: {  	[dreg:$0x0] =	wrdreg $0xFFFFFFFF;
	(pc) =	sbr.abs _section_cstart, $3  }
0xc8: {  	[dreg:$0x1] =	wrdreg $0xFFFFFFFF  }
0xc9: {  	_ =	task.clear_ibuf [dreg:s11], $0x2FFFF;
	_ =	strace $0x9FFFFFFF  }
0xca: {  	(tm) =	ssettm $0x7FFFFFFF  }
0xcb: {  	_ =	shalt  }
tec
execute0_lowered:
.L_overlay_start_1:
0x0: {  	(tag) =	ssettag $0x1  }
0x1: {  	v0 =	vlaneseq.u32  }
0x2: {  	v1 =	vmul.u32 $0x80, v0  }
0x3: {  	v2 =	vadd.s32 $0x1, v0  }
0x4: {  	[tilespmem:$0x1FEC0] =	vst v2;
	v2 =	vadd.s32 $0x80, v1  }
0x5: {  	v3 =	vimm.s32 $0xF8F7F6F5;
	[tilespmem:$0x1FED0] =	vst v2;
	v2 =	vor.u32 $0x1, v1  }
0x6: {  	vm0 =	vcmask $0xF00;
	vm9 =	vcmask $0x1F10;
	[tilespmem:$0x1FEE0] =	vst v2;
	v2 =	vadd.s32 $0x81, v1  }
0x7: {  	v4 =	vimm.s32 $0xFCFBFAF9;
	vm10 =	vcmask $0x2F20;
	[tilespmem:$0x1FEF0] =	vst v2;
	v2 =	vor.u32 $0x2, v1  }
0x8: {  	vm2 =	vcmask $0x300;
	vm3 =	vcmask $0x704;
	[tilespmem:$0x1FF00] =	vst v2;
	v2 =	vadd.s32 $0x82, v1  }
0x9: {  	vm4 =	vcmask $0xB08;
	vm5 =	vcmask $0xF0C;
	[tilespmem:$0x1FF10] =	vst v2;
	v2 =	vadd.s32 $0x11, v0  }
0xa: {  	vm1 =	vcmask $0x3734;
	vm6 =	vcmask $0x1310;
	[tilespmem:$0x1FF20] =	vst v2;
	v2 =	vor.u32 $0x800, v1  }
0xb: {  	vm7 =	vcmask $0x1714;
	vm8 =	vcmask $0x1B18;
	[tilespmem:$0x1FF30] =	vst v2;
	v2 =	vadd.s32 $0x880, v1  }
0xc: {  	vm11 =	vcmask $0x1F1C;
	vm12 =	vcmask $0x2320;
	[tilespmem:$0x1FF40] =	vst v2;
	v2 =	vor.u32 $0x801, v1  }
0xd: {  	vm13 =	vcmask $0x2724;
	vm14 =	vcmask $0x2B28;
	[tilespmem:$0x1FF50] =	vst v2;
	v2 =	vadd.s32 $0x881, v1  }
0xe: {  	vm15 =	vcmask $0x2F2C;
	v22 =	vadd.s32 $0x31, v0;
	[tilespmem:$0x1FF60] =	vst v2;
	v2 =	vor.u32 $0x802, v1  }
0xf: {  	v29 =	vadd.s32 $0x41, v0;
	v36 =	vadd.s32 $0x51, v0;
	[tilespmem:$0x1FF70] =	vst v2;
	v2 =	vadd.s32 $0x882, v1  }
0x10: {  	v43 =	vadd.s32 $0x61, v0;
	v50 =	vadd.s32 $0x71, v0;
	[tilespmem:$0x1FF80] =	vst v2;
	v2 =	vadd.s32 $0x21, v0  }
0x11: {  	v57 =	vadd.s32 $0x81, v0;
	v3 =	vunpack.c.0.s8.s32 v3;
	[tilespmem:$0x1FF90] =	vst v2;
	v2 =	vor.u32 $0x1000, v1  }
0x12: {  	v23 =	vor.u32 $0x1800, v1;
	v24 =	vadd.s32 $0x1880, v1;
	[tilespmem:$0x1FFA0] =	vst v2;
	v2 =	vadd.s32 $0x1080, v1  }
0x13: {  	v25 =	vor.u32 $0x1801, v1;
	v26 =	vadd.s32 $0x1881, v1;
	[tilespmem:$0x1FFB0] =	vst v2;
	v2 =	vor.u32 $0x1001, v1  }
0x14: {  	v27 =	vor.u32 $0x1802, v1;
	v28 =	vadd.s32 $0x1882, v1;
	[tilespmem:$0x1FFC0] =	vst v2;
	v2 =	vadd.s32 $0x1081, v1  }
0x15: {  	v30 =	vor.u32 $0x2000, v1;
	v31 =	vadd.s32 $0x2080, v1;
	[tilespmem:$0x1FFD0] =	vst v2;
	v2 =	vor.u32 $0x1002, v1  }
0x16: {  	v32 =	vor.u32 $0x2001, v1;
	v33 =	vadd.s32 $0x2081, v1;
	[tilespmem:$0x1FFE0] =	vst v2;
	v2 =	vadd.s32 $0x1082, v1  }
0x17: {  	v34 =	vor.u32 $0x2002, v1;
	v35 =	vadd.s32 $0x2082, v1;
	[tilespmem:$0x1FFF0] =	vst v2;
	v2 =	vimm.s32 $0xF4F3F2F1  }
0x18: {  	v37 =	vor.u32 $0x2800, v1;
	v38 =	vadd.s32 $0x2880, v1;
	v2 =	vunpack.c.0.s8.s32 v2  }
0x19: {  	v39 =	vor.u32 $0x2801, v1;
	v40 =	vadd.s32 $0x2881, v1;
	v41 =	vor.u32 $0x2802, v1  }
0x1a: {  	v42 =	vadd.s32 $0x2882, v1;
	v44 =	vor.u32 $0x3000, v1;
	v2 =	vnsel vm0, $0xFF, v2  }
0x1b: {  	v45 =	vadd.s32 $0x3080, v1;
	v2 =	vsel vm9, v3, v2;
	v3 =	vunpack.c.0.s8.s32 v4  }
0x1c: {  	v46 =	vor.u32 $0x3001, v1;
	v47 =	vadd.s32 $0x3081, v1;
	v4 =	vimm.s32 $0x7F80  }
0x1d: {  	v48 =	vor.u32 $0x3002, v1;
	v2 =	vsel vm10, v3, v2;
	v3 =	vsel vm2, $0x7880, v4  }
0x1e: {  	v49 =	vadd.s32 $0x3082, v1;
	v51 =	vor.u32 $0x3800, v1;
	v3 =	vsel vm3, $0x7900, v3  }
0x1f: {  	v52 =	vadd.s32 $0x3880, v1;
	vm0 =	vcmask $0x3330;
	v3 =	vsel vm4, $0x7980, v3  }
0x20: {  	v53 =	vor.u32 $0x3801, v1;
	v2 =	vsel vm0, $0xFD, v2;
	v3 =	vsel vm5, $0x7A00, v3  }
0x21: {  	v54 =	vadd.s32 $0x3881, v1;
	v2 =	vsel vm1, $0xFE, v2;
	v3 =	vsel vm6, $0x7A80, v3  }
0x22: {  	v60 =	vand.u32 $0xFF, v2;
	v2 =	vsel vm7, $0x7B00, v3;
	v3 =	vimm.s32 $0x7F81  }
0x23: {  	v55 =	vor.u32 $0x3802, v1;
	v4 =	vimm.s32 $0x7F82;
	v3 =	vsel vm2, $0x7881, v3  }
0x24: {  	s0 =	rddreg [dreg:$0x0];
	v56 =	vadd.s32 $0x3882, v1;
	v4 =	vsel vm2, $0x7882, v4;
	v3 =	vsel vm3, $0x7901, v3  }
0x25: {  	s1 =	rddreg [dreg:$0x1];
	v58 =	vor.u32 $0x4000, v1;
	v4 =	vsel vm3, $0x7902, v4;
	v3 =	vsel vm4, $0x7981, v3  }
0x26: {  	s2 =	rddreg [dreg:$0x2];
	v59 =	vadd.s32 $0x4080, v1;
	v4 =	vsel vm4, $0x7982, v4;
	v3 =	vsel vm5, $0x7A01, v3  }
0x27: {  	s8 =	rddreg [dreg:$0x3];
	v5 =	vadd.s32 $0x4082, v1;
	v4 =	vsel vm5, $0x7A02, v4;
	v3 =	vsel vm6, $0x7A81, v3  }
0x28: {  	s3 =	rddreg [dreg:$0x4];
	v4 =	vsel vm6, $0x7A82, v4;
	v2 =	vsel vm8, $0x7B80, v2;
	v3 =	vsel vm7, $0x7B01, v3  }
0x29: {  	s5 =	rddreg [dreg:$0x5];
	v4 =	vsel vm7, $0x7B02, v4;
	v2 =	vsel vm11, $0x7C00, v2;
	v3 =	vsel vm8, $0x7B81, v3  }
0x2a: {  	s4 =	rddreg [dreg:$0x6];
	s6 =	simm.s32 $0x0;
	v4 =	vsel vm8, $0x7B82, v4;
	v2 =	vsel vm12, $0x7C80, v2;
	v3 =	vsel vm11, $0x7C01, v3  }
0x2b: {  	s7 =	srdreg.scid;
	s13 =	simm.s32 $0x8100;
	s14 =	simm.s32 $0x8200;
	v4 =	vsel vm11, $0x7C02, v4;
	v2 =	vsel vm13, $0x7D00, v2;
	v3 =	vsel vm12, $0x7C81, v3  }
0x2c: {  	s15 =	simm.s32 $0x8B00;
	s16 =	simm.s32 $0x8300;
	s17 =	simm.s32 $0x9B00;
	v4 =	vsel vm12, $0x7C82, v4;
	v2 =	vsel vm14, $0x7D80, v2;
	v3 =	vsel vm13, $0x7D01, v3  }
0x2d: {  	s18 =	simm.s32 $0x0;
	[smem:$0x7FF] =	sst s6;
	s9 =	sand.u32 $0x1, s7;
	v4 =	vsel vm13, $0x7D02, v4;
	v2 =	vsel vm15, $0x7E00, v2;
	v3 =	vsel vm14, $0x7D81, v3  }
0x2e: {  	s7 =	stileid.u32;
	s8 =	sadd.s32 $0x800, s8;
	s10 =	ssub.s32 $0x2, s9;
	v4 =	vsel vm14, $0x7D82, v4;
	v2 =	vsel vm0, $0x7E80, v2;
	v3 =	vsel vm15, $0x7E01, v3  }
0x2f: {  	s12 =	sshll.u32 s7, $0x14;
	s9 =	sshll.u32 s9, $0x13;
	s11 =	sshrl.u32 s10, $0x1;
	v4 =	vsel vm15, $0x7E02, v4;
	v61 =	vsel vm1, $0x7F00, v2;
	v2 =	vsel vm0, $0x7E81, v3  }
0x30: {  	s9 =	sor.u32 s9, s12;
	s12 =	simm.s32 $0x100;
	s10 =	ssub.s32 s10, s11;
	v3 =	vsel vm0, $0x7E82, v4;
	v4 =	vor.u32 $0x4002, v1;
	v62 =	vsel vm1, $0x7F01, v2  }
0x31: {  	s11 =	simm.s32 $0x1;
	s10 =	smax.u32 s10, $0x1;
	_ =	strace $0x80000047;
	v63 =	vsel vm1, $0x7F02, v3;
	v2 =	vor.u32 $0x4001, v1;
	v3 =	vadd.s32 $0x4081, v1  }
.LBB2_1:
0x32: {  	[tilespmem:s6], [sflag:$0x1] =	stream.linear.gather [hbm4b:s2+s6], $0x100, $0x38;
	[tilespmem:$0xDB00] =	vst v63  }
0x33: {  	_ =	swait.ge [sflag:s11], $0x100  }
0x34: {  	[sflag:s11] =	ssyncset.done $0x0  }
0x35: {  	[sflag:s11] =	ssyncadd.s32 $0xFFFFFF00  }
0x36: {  	[tilespmem:s12], [sflag:$0x1] =	stream.linear.gather [hbm4b:s8+s6], $0x8000, $0x38;
	[tilespmem:$0xDB00] =	vst v63  }
0x37: {  	_ =	swait.ge [sflag:s11], $0x8000  }
0x38: {  	[sflag:s11] =	ssyncset.done $0x0  }
0x39: {  	[sflag:s11] =	ssyncadd.s32 $0xFFFF8000  }
0x3a: {  	[tilespmem:s13], [sflag:$0x1] =	stream.linear.gather [hbm4b:s3+s6], $0xFF, $0x38;
	[tilespmem:$0xDB00] =	vst v63  }
0x3b: {  	_ =	swait.ge [sflag:s11], $0xFF  }
0x3c: {  	[sflag:s11] =	ssyncset.done $0x0  }
0x3d: {  	[sflag:s11] =	ssyncadd.s32 $0xFFFFFF01  }
0x3e: {  	[tilespmem:s14], [sflag:$0x1] =	stream.linear.gather [hbm4b:s1+s6], $0xFF, $0x38;
	[tilespmem:$0xDB00] =	vst v63  }
0x3f: {  	_ =	swait.ge [sflag:s11], $0xFF  }
0x40: {  	[sflag:s11] =	ssyncset.done $0x0  }
0x41: {  	[sflag:s11] =	ssyncadd.s32 $0xFFFFFF01  }
0x42: {  	v6 =	vld [tilespmem:$0x8100];
	_ =	sdelay $0x2  }
0x43: {  	v7 =	vld [tilespmem:$0x8200];
	_ =	sdelay $0x4  }
0x44: {  	[tilespmem:v6+s6+$0x0] =	vst.idx.msk $0xffff, v7  }
0x45: {  	v6 =	vld [tilespmem:$0x8110];
	_ =	sdelay $0x2  }
0x46: {  	v7 =	vld [tilespmem:$0x8210];
	_ =	sdelay $0x4  }
0x47: {  	[tilespmem:v6+s6+$0x0] =	vst.idx.msk $0xffff, v7  }
0x48: {  	v6 =	vld [tilespmem:$0x8120];
	_ =	sdelay $0x2  }
0x49: {  	v7 =	vld [tilespmem:$0x8220];
	_ =	sdelay $0x4  }
0x4a: {  	[tilespmem:v6+s6+$0x0] =	vst.idx.msk $0xffff, v7  }
0x4b: {  	v6 =	vld [tilespmem:$0x8130];
	_ =	sdelay $0x2  }
0x4c: {  	v7 =	vld [tilespmem:$0x8230];
	_ =	sdelay $0x4  }
0x4d: {  	[tilespmem:v6+s6+$0x0] =	vst.idx.msk $0xffff, v7  }
0x4e: {  	v6 =	vld [tilespmem:$0x8140];
	_ =	sdelay $0x2  }
0x4f: {  	v7 =	vld [tilespmem:$0x8240];
	_ =	sdelay $0x4  }
0x50: {  	[tilespmem:v6+s6+$0x0] =	vst.idx.msk $0xffff, v7  }
0x51: {  	v6 =	vld [tilespmem:$0x8150];
	_ =	sdelay $0x2  }
0x52: {  	v7 =	vld [tilespmem:$0x8250];
	_ =	sdelay $0x4  }
0x53: {  	[tilespmem:v6+s6+$0x0] =	vst.idx.msk $0xffff, v7  }
0x54: {  	v6 =	vld [tilespmem:$0x8160];
	_ =	sdelay $0x2  }
0x55: {  	v7 =	vld [tilespmem:$0x8260];
	_ =	sdelay $0x4  }
0x56: {  	[tilespmem:v6+s6+$0x0] =	vst.idx.msk $0xffff, v7  }
0x57: {  	v6 =	vld [tilespmem:$0x8170];
	_ =	sdelay $0x2  }
0x58: {  	v7 =	vld [tilespmem:$0x8270];
	_ =	sdelay $0x4  }
0x59: {  	[tilespmem:v6+s6+$0x0] =	vst.idx.msk $0xffff, v7  }
0x5a: {  	v6 =	vld [tilespmem:$0x8180];
	_ =	sdelay $0x2  }
0x5b: {  	v7 =	vld [tilespmem:$0x8280];
	_ =	sdelay $0x4  }
0x5c: {  	[tilespmem:v6+s6+$0x0] =	vst.idx.msk $0xffff, v7  }
0x5d: {  	v6 =	vld [tilespmem:$0x8190];
	_ =	sdelay $0x2  }
0x5e: {  	v7 =	vld [tilespmem:$0x8290];
	_ =	sdelay $0x4  }
0x5f: {  	[tilespmem:v6+s6+$0x0] =	vst.idx.msk $0xffff, v7  }
0x60: {  	v6 =	vld [tilespmem:$0x81A0];
	_ =	sdelay $0x2  }
0x61: {  	v7 =	vld [tilespmem:$0x82A0];
	_ =	sdelay $0x4  }
0x62: {  	[tilespmem:v6+s6+$0x0] =	vst.idx.msk $0xffff, v7  }
0x63: {  	v6 =	vld [tilespmem:$0x81B0];
	_ =	sdelay $0x2  }
0x64: {  	v7 =	vld [tilespmem:$0x82B0];
	_ =	sdelay $0x4  }
0x65: {  	[tilespmem:v6+s6+$0x0] =	vst.idx.msk $0xffff, v7  }
0x66: {  	v6 =	vld [tilespmem:$0x81C0];
	_ =	sdelay $0x2  }
0x67: {  	v7 =	vld [tilespmem:$0x82C0];
	_ =	sdelay $0x4  }
0x68: {  	[tilespmem:v6+s6+$0x0] =	vst.idx.msk $0xffff, v7  }
0x69: {  	v6 =	vld [tilespmem:$0x81D0];
	_ =	sdelay $0x2  }
0x6a: {  	v7 =	vld [tilespmem:$0x82D0];
	_ =	sdelay $0x4  }
0x6b: {  	[tilespmem:v6+s6+$0x0] =	vst.idx.msk $0xffff, v7  }
0x6c: {  	v6 =	vld [tilespmem:$0x81E0];
	_ =	sdelay $0x2  }
0x6d: {  	v7 =	vld [tilespmem:$0x82E0];
	_ =	sdelay $0x4  }
0x6e: {  	[tilespmem:v6+s6+$0x0] =	vst.idx.msk $0xffff, v7  }
0x6f: {  	v6 =	vld [tilespmem:$0x81F0];
	_ =	sdelay $0x2  }
0x70: {  	v7 =	vld [tilespmem:$0x82F0];
	_ =	sdelay $0x4  }
0x71: {  	[tilespmem:v6+s6+$0x0] =	vst.idx.msk $0x7fff, v7;
	v7 =	vld [tilespmem:$0x1FED0];
	_ =	sdelay $0x4  }
0x72: {  	v8 =	vld [tilespmem:$0x1FEC0];
	_ =	sdelay $0x1  }
0x73: {  	v6 =	vld.idx.msk [tilespmem:v1+s12+$0x0], $0xffff  }
0x74: {  	v7 =	vld.idx.msk [tilespmem:v7+s12+$0x0], $0xffff;
	_ =	sdelay $0x4  }
0x75: {  	v8 =	vld.idx.msk [tilespmem:v8+s6+$0x0], $0xffff;
	v7 =	vsub.f32 v7, v6  }
0x76: {  	[tilespmem:$0x8300] =	vst v6;
	v6 =	vld [tilespmem:$0x1FEE0]  }
0x77: {  	[tilespmem:$0x8700] =	vst v7;
	v7 =	vld [tilespmem:$0x1FEF0];
	_ =	sdelay $0x6  }
0x78: {  	v6 =	vld.idx.msk [tilespmem:v6+s12+$0x0], $0xffff  }
0x79: {  	v7 =	vld.idx.msk [tilespmem:v7+s12+$0x0], $0xffff;
	_ =	sdelay $0x4  }
0x7a: {  	v7 =	vsub.f32 v7, v6  }
0x7b: {  	[tilespmem:$0x8400] =	vst v6;
	v6 =	vld [tilespmem:$0x1FF00]  }
0x7c: {  	[tilespmem:$0x8800] =	vst v7;
	v7 =	vld [tilespmem:$0x1FF10];
	_ =	sdelay $0x5  }
0x7d: {  	v9 =	vld [tilespmem:$0x0]  }
0x7e: {  	v6 =	vld.idx.msk [tilespmem:v6+s12+$0x0], $0xffff  }
0x7f: {  	v7 =	vld.idx.msk [tilespmem:v7+s12+$0x0], $0xffff;
	_ =	sdelay $0x4  }
0x80: {  	[tilespmem:$0x8500] =	vst v6;
	v7 =	vsub.f32 v7, v6;
	v6 =	vsub.f32 v8, v9;
	_ =	sdelay $0x1  }
0x81: {  	[tilespmem:$0x8A00] =	vst v6;
	v6 =	vld [tilespmem:$0x1FF30]  }
0x82: {  	[tilespmem:$0x8900] =	vst v7;
	v7 =	vld [tilespmem:$0x1FF40];
	_ =	sdelay $0x4  }
0x83: {  	v15 =	vld [tilespmem:$0x1FF20]  }
0x84: {  	[tilespmem:$0x8600] =	vst v9  }
0x85: {  	v6 =	vld.idx.msk [tilespmem:v6+s12+$0x0], $0xffff  }
0x86: {  	v7 =	vld.idx.msk [tilespmem:v7+s12+$0x0], $0xffff;
	_ =	sdelay $0x4  }
0x87: {  	v8 =	vld.idx.msk [tilespmem:v15+s6+$0x0], $0xffff;
	v7 =	vsub.f32 v7, v6  }
0x88: {  	[tilespmem:$0x8310] =	vst v6;
	v6 =	vld [tilespmem:$0x1FF50]  }
0x89: {  	[tilespmem:$0x8710] =	vst v7;
	v7 =	vld [tilespmem:$0x1FF60];
	_ =	sdelay $0x6  }
0x8a: {  	v6 =	vld.idx.msk [tilespmem:v6+s12+$0x0], $0xffff  }
0x8b: {  	v7 =	vld.idx.msk [tilespmem:v7+s12+$0x0], $0xffff;
	_ =	sdelay $0x4  }
0x8c: {  	v7 =	vsub.f32 v7, v6  }
0x8d: {  	[tilespmem:$0x8410] =	vst v6;
	v6 =	vld [tilespmem:$0x1FF70]  }
0x8e: {  	[tilespmem:$0x8810] =	vst v7;
	v7 =	vld [tilespmem:$0x1FF80];
	_ =	sdelay $0x5  }
0x8f: {  	v16 =	vld [tilespmem:$0x10]  }
0x90: {  	v6 =	vld.idx.msk [tilespmem:v6+s12+$0x0], $0xffff  }
0x91: {  	v7 =	vld.idx.msk [tilespmem:v7+s12+$0x0], $0xffff;
	_ =	sdelay $0x4  }
0x92: {  	[tilespmem:$0x8510] =	vst v6;
	v7 =	vsub.f32 v7, v6;
	v6 =	vsub.f32 v8, v16;
	_ =	sdelay $0x1  }
0x93: {  	[tilespmem:$0x8A10] =	vst v6;
	v6 =	vld [tilespmem:$0x1FFA0]  }
0x94: {  	[tilespmem:$0x8910] =	vst v7;
	v7 =	vld [tilespmem:$0x1FFB0];
	_ =	sdelay $0x4  }
0x95: {  	v17 =	vld [tilespmem:$0x1FF90]  }
0x96: {  	[tilespmem:$0x8610] =	vst v16  }
0x97: {  	v6 =	vld.idx.msk [tilespmem:v6+s12+$0x0], $0xffff  }
0x98: {  	v7 =	vld.idx.msk [tilespmem:v7+s12+$0x0], $0xffff;
	_ =	sdelay $0x4  }
0x99: {  	v8 =	vld.idx.msk [tilespmem:v17+s6+$0x0], $0xffff;
	v7 =	vsub.f32 v7, v6  }
0x9a: {  	[tilespmem:$0x8320] =	vst v6;
	v6 =	vld [tilespmem:$0x1FFC0]  }
0x9b: {  	[tilespmem:$0x8720] =	vst v7;
	v7 =	vld [tilespmem:$0x1FFD0];
	_ =	sdelay $0x6  }
0x9c: {  	v6 =	vld.idx.msk [tilespmem:v6+s12+$0x0], $0xffff  }
0x9d: {  	v7 =	vld.idx.msk [tilespmem:v7+s12+$0x0], $0xffff;
	_ =	sdelay $0x4  }
0x9e: {  	v7 =	vsub.f32 v7, v6  }
0x9f: {  	[tilespmem:$0x8420] =	vst v6;
	v6 =	vld [tilespmem:$0x1FFE0]  }
0xa0: {  	[tilespmem:$0x8820] =	vst v7;
	v7 =	vld [tilespmem:$0x1FFF0];
	_ =	sdelay $0x5  }
0xa1: {  	v18 =	vld [tilespmem:$0x20]  }
0xa2: {  	v6 =	vld.idx.msk [tilespmem:v6+s12+$0x0], $0xffff  }
0xa3: {  	v7 =	vld.idx.msk [tilespmem:v7+s12+$0x0], $0xffff;
	_ =	sdelay $0x4  }
0xa4: {  	[tilespmem:$0x8620] =	vst v18;
	v7 =	vsub.f32 v7, v6  }
0xa5: {  	[tilespmem:$0x8520] =	vst v6;
	v6 =	vsub.f32 v8, v18  }
0xa6: {  	[tilespmem:$0x8920] =	vst v7  }
0xa7: {  	[tilespmem:$0x8A20] =	vst v6  }
0xa8: {  	v6 =	vld.idx.msk [tilespmem:v23+s12+$0x0], $0xffff  }
0xa9: {  	v7 =	vld.idx.msk [tilespmem:v24+s12+$0x0], $0xffff;
	_ =	sdelay $0x4  }
0xaa: {  	v7 =	vsub.f32 v7, v6  }
0xab: {  	v19 =	vld.idx.msk [tilespmem:v22+s6+$0x0], $0xffff;
	[tilespmem:$0x8330] =	vst v6  }
0xac: {  	[tilespmem:$0x8730] =	vst v7  }
0xad: {  	v6 =	vld.idx.msk [tilespmem:v25+s12+$0x0], $0xffff  }
0xae: {  	v7 =	vld.idx.msk [tilespmem:v26+s12+$0x0], $0xffff;
	_ =	sdelay $0x4  }
0xaf: {  	v7 =	vsub.f32 v7, v6  }
0xb0: {  	[tilespmem:$0x8430] =	vst v6  }
0xb1: {  	v12 =	vld [tilespmem:$0x30];
	[tilespmem:$0x8830] =	vst v7  }
0xb2: {  	v6 =	vld.idx.msk [tilespmem:v27+s12+$0x0], $0xffff  }
0xb3: {  	v7 =	vld.idx.msk [tilespmem:v28+s12+$0x0], $0xffff;
	_ =	sdelay $0x4  }
0xb4: {  	[tilespmem:$0x8630] =	vst v12;
	v7 =	vsub.f32 v7, v6  }
0xb5: {  	[tilespmem:$0x8530] =	vst v6;
	v6 =	vsub.f32 v19, v12  }
0xb6: {  	[tilespmem:$0x8930] =	vst v7  }
0xb7: {  	[tilespmem:$0x8A30] =	vst v6  }
0xb8: {  	v6 =	vld.idx.msk [tilespmem:v30+s12+$0x0], $0xffff  }
0xb9: {  	v7 =	vld.idx.msk [tilespmem:v31+s12+$0x0], $0xffff;
	_ =	sdelay $0x4  }
0xba: {  	v7 =	vsub.f32 v7, v6  }
0xbb: {  	v13 =	vld.idx.msk [tilespmem:v29+s6+$0x0], $0xffff;
	[tilespmem:$0x8340] =	vst v6  }
0xbc: {  	[tilespmem:$0x8740] =	vst v7  }
0xbd: {  	v6 =	vld.idx.msk [tilespmem:v32+s12+$0x0], $0xffff  }
0xbe: {  	v7 =	vld.idx.msk [tilespmem:v33+s12+$0x0], $0xffff;
	_ =	sdelay $0x4  }
0xbf: {  	v7 =	vsub.f32 v7, v6  }
0xc0: {  	[tilespmem:$0x8440] =	vst v6  }
0xc1: {  	v14 =	vld [tilespmem:$0x40];
	[tilespmem:$0x8840] =	vst v7  }
0xc2: {  	v6 =	vld.idx.msk [tilespmem:v34+s12+$0x0], $0xffff  }
0xc3: {  	v7 =	vld.idx.msk [tilespmem:v35+s12+$0x0], $0xffff;
	_ =	sdelay $0x4  }
0xc4: {  	[tilespmem:$0x8640] =	vst v14;
	v7 =	vsub.f32 v7, v6  }
0xc5: {  	[tilespmem:$0x8540] =	vst v6;
	v6 =	vsub.f32 v13, v14  }
0xc6: {  	[tilespmem:$0x8940] =	vst v7  }
0xc7: {  	[tilespmem:$0x8A40] =	vst v6  }
0xc8: {  	v6 =	vld.idx.msk [tilespmem:v37+s12+$0x0], $0xffff  }
0xc9: {  	v7 =	vld.idx.msk [tilespmem:v38+s12+$0x0], $0xffff;
	_ =	sdelay $0x4  }
0xca: {  	v7 =	vsub.f32 v7, v6  }
0xcb: {  	v15 =	vld.idx.msk [tilespmem:v36+s6+$0x0], $0xffff;
	[tilespmem:$0x8350] =	vst v6  }
0xcc: {  	[tilespmem:$0x8750] =	vst v7  }
0xcd: {  	v6 =	vld.idx.msk [tilespmem:v39+s12+$0x0], $0xffff  }
0xce: {  	v7 =	vld.idx.msk [tilespmem:v40+s12+$0x0], $0xffff;
	_ =	sdelay $0x4  }
0xcf: {  	v7 =	vsub.f32 v7, v6  }
0xd0: {  	[tilespmem:$0x8450] =	vst v6  }
0xd1: {  	v16 =	vld [tilespmem:$0x50];
	[tilespmem:$0x8850] =	vst v7  }
0xd2: {  	v6 =	vld.idx.msk [tilespmem:v41+s12+$0x0], $0xffff  }
0xd3: {  	v7 =	vld.idx.msk [tilespmem:v42+s12+$0x0], $0xffff;
	_ =	sdelay $0x4  }
0xd4: {  	[tilespmem:$0x8650] =	vst v16;
	v7 =	vsub.f32 v7, v6  }
0xd5: {  	[tilespmem:$0x8550] =	vst v6;
	v6 =	vsub.f32 v15, v16  }
0xd6: {  	[tilespmem:$0x8950] =	vst v7  }
0xd7: {  	[tilespmem:$0x8A50] =	vst v6  }
0xd8: {  	v6 =	vld.idx.msk [tilespmem:v44+s12+$0x0], $0xffff  }
0xd9: {  	v7 =	vld.idx.msk [tilespmem:v45+s12+$0x0], $0xffff;
	_ =	sdelay $0x4  }
0xda: {  	v7 =	vsub.f32 v7, v6  }
0xdb: {  	v17 =	vld.idx.msk [tilespmem:v43+s6+$0x0], $0xffff;
	[tilespmem:$0x8360] =	vst v6  }
0xdc: {  	[tilespmem:$0x8760] =	vst v7  }
0xdd: {  	v6 =	vld.idx.msk [tilespmem:v46+s12+$0x0], $0xffff  }
0xde: {  	v7 =	vld.idx.msk [tilespmem:v47+s12+$0x0], $0xffff;
	_ =	sdelay $0x4  }
0xdf: {  	v7 =	vsub.f32 v7, v6  }
0xe0: {  	[tilespmem:$0x8460] =	vst v6  }
0xe1: {  	v18 =	vld [tilespmem:$0x60];
	[tilespmem:$0x8860] =	vst v7  }
0xe2: {  	v6 =	vld.idx.msk [tilespmem:v48+s12+$0x0], $0xffff  }
0xe3: {  	v7 =	vld.idx.msk [tilespmem:v49+s12+$0x0], $0xffff;
	_ =	sdelay $0x4  }
0xe4: {  	[tilespmem:$0x8660] =	vst v18;
	v7 =	vsub.f32 v7, v6  }
0xe5: {  	[tilespmem:$0x8560] =	vst v6;
	v6 =	vsub.f32 v17, v18  }
0xe6: {  	[tilespmem:$0x8960] =	vst v7  }
0xe7: {  	[tilespmem:$0x8A60] =	vst v6  }
0xe8: {  	v6 =	vld.idx.msk [tilespmem:v51+s12+$0x0], $0xffff  }
0xe9: {  	v7 =	vld.idx.msk [tilespmem:v52+s12+$0x0], $0xffff;
	_ =	sdelay $0x4  }
0xea: {  	v7 =	vsub.f32 v7, v6  }
0xeb: {  	v19 =	vld.idx.msk [tilespmem:v50+s6+$0x0], $0xffff;
	[tilespmem:$0x8370] =	vst v6  }
0xec: {  	[tilespmem:$0x8770] =	vst v7  }
0xed: {  	v6 =	vld.idx.msk [tilespmem:v53+s12+$0x0], $0xffff  }
0xee: {  	v7 =	vld.idx.msk [tilespmem:v54+s12+$0x0], $0xffff;
	_ =	sdelay $0x4  }
0xef: {  	v7 =	vsub.f32 v7, v6  }
0xf0: {  	[tilespmem:$0x8470] =	vst v6  }
0xf1: {  	v12 =	vld [tilespmem:$0x70];
	[tilespmem:$0x8870] =	vst v7  }
0xf2: {  	v6 =	vld.idx.msk [tilespmem:v55+s12+$0x0], $0xffff  }
0xf3: {  	v7 =	vld.idx.msk [tilespmem:v56+s12+$0x0], $0xffff;
	_ =	sdelay $0x4  }
0xf4: {  	[tilespmem:$0x8670] =	vst v12;
	v7 =	vsub.f32 v7, v6  }
0xf5: {  	[tilespmem:$0x8570] =	vst v6;
	v6 =	vsub.f32 v19, v12  }
0xf6: {  	[tilespmem:$0x8970] =	vst v7  }
0xf7: {  	[tilespmem:$0x8A70] =	vst v6  }
0xf8: {  	v6 =	vld.idx.msk [tilespmem:v58+s12+$0x0], $0xffff  }
0xf9: {  	v7 =	vld.idx.msk [tilespmem:v59+s12+$0x0], $0xffff;
	_ =	sdelay $0x4  }
0xfa: {  	v7 =	vsub.f32 v7, v6  }
0xfb: {  	v13 =	vld.idx.msk [tilespmem:v57+s6+$0x0], $0xffff;
	[tilespmem:$0x8380] =	vst v6  }
0xfc: {  	[tilespmem:$0x8780] =	vst v7  }
0xfd: {  	v6 =	vld.idx.msk [tilespmem:v2+s12+$0x0], $0xffff  }
0xfe: {  	v7 =	vld.idx.msk [tilespmem:v3+s12+$0x0], $0xffff;
	_ =	sdelay $0x4  }
0xff: {  	v7 =	vsub.f32 v7, v6  }
0x100: {  	[tilespmem:$0x8480] =	vst v6  }
0x101: {  	[tilespmem:$0x8880] =	vst v7  }
0x102: {  	v6 =	vld.idx.msk [tilespmem:v4+s12+$0x0], $0xffff  }
0x103: {  	v7 =	vld.idx.msk [tilespmem:v5+s12+$0x0], $0xffff;
	_ =	sdelay $0x1  }
0x104: {  	v14 =	vld [tilespmem:$0x80];
	_ =	sdelay $0x2  }
0x105: {  	v10 =	vor.u32 $0x4800, v1;
	v7 =	vsub.f32 v7, v6  }
0x106: {  	[tilespmem:$0x8580] =	vst v6;
	v6 =	vadd.s32 $0x4880, v1  }
0x107: {  	[tilespmem:$0x8980] =	vst v7;
	v7 =	vsub.f32 v13, v14  }
0x108: {  	[tilespmem:$0x8680] =	vst v14  }
0x109: {  	[tilespmem:$0x8A80] =	vst v7  }
0x10a: {  	v7 =	vld.idx.msk [tilespmem:v10+s12+$0x0], $0xffff  }
0x10b: {  	v6 =	vld.idx.msk [tilespmem:v6+s12+$0x0], $0xffff  }
0x10c: {  	v15 =	vadd.s32 $0x91, v0;
	_ =	sdelay $0x1  }
0x10d: {  	v16 =	vor.u32 $0x4801, v1  }
0x10e: {  	v17 =	vadd.s32 $0x4881, v1  }
0x10f: {  	v6 =	vsub.f32 v6, v7  }
0x110: {  	v8 =	vld.idx.msk [tilespmem:v15+s6+$0x0], $0xffff;
	[tilespmem:$0x8390] =	vst v7  }
0x111: {  	[tilespmem:$0x8790] =	vst v6  }
0x112: {  	v6 =	vld.idx.msk [tilespmem:v16+s12+$0x0], $0xffff  }
0x113: {  	v7 =	vld.idx.msk [tilespmem:v17+s12+$0x0], $0xffff;
	_ =	sdelay $0x2  }
0x114: {  	v18 =	vor.u32 $0x4802, v1  }
0x115: {  	v19 =	vadd.s32 $0x4882, v1  }
0x116: {  	v7 =	vsub.f32 v7, v6  }
0x117: {  	[tilespmem:$0x8490] =	vst v6  }
0x118: {  	[tilespmem:$0x8890] =	vst v7  }
0x119: {  	v6 =	vld.idx.msk [tilespmem:v18+s12+$0x0], $0xffff  }
0x11a: {  	v7 =	vld.idx.msk [tilespmem:v19+s12+$0x0], $0xffff;
	_ =	sdelay $0x1  }
0x11b: {  	v12 =	vld [tilespmem:$0x90];
	_ =	sdelay $0x2  }
0x11c: {  	v13 =	vor.u32 $0x5000, v1;
	v7 =	vsub.f32 v7, v6  }
0x11d: {  	[tilespmem:$0x8590] =	vst v6;
	v6 =	vadd.s32 $0x5080, v1  }
0x11e: {  	[tilespmem:$0x8990] =	vst v7;
	v7 =	vsub.f32 v8, v12  }
0x11f: {  	[tilespmem:$0x8690] =	vst v12  }
0x120: {  	[tilespmem:$0x8A90] =	vst v7  }
0x121: {  	v7 =	vld.idx.msk [tilespmem:v13+s12+$0x0], $0xffff  }
0x122: {  	v6 =	vld.idx.msk [tilespmem:v6+s12+$0x0], $0xffff  }
0x123: {  	v14 =	vadd.s32 $0xA1, v0;
	_ =	sdelay $0x1  }
0x124: {  	v15 =	vor.u32 $0x5001, v1  }
0x125: {  	v16 =	vadd.s32 $0x5081, v1  }
0x126: {  	v6 =	vsub.f32 v6, v7  }
0x127: {  	v8 =	vld.idx.msk [tilespmem:v14+s6+$0x0], $0xffff;
	[tilespmem:$0x83A0] =	vst v7  }
0x128: {  	[tilespmem:$0x87A0] =	vst v6  }
0x129: {  	v6 =	vld.idx.msk [tilespmem:v15+s12+$0x0], $0xffff  }
0x12a: {  	v7 =	vld.idx.msk [tilespmem:v16+s12+$0x0], $0xffff;
	_ =	sdelay $0x2  }
0x12b: {  	v17 =	vor.u32 $0x5002, v1  }
0x12c: {  	v18 =	vadd.s32 $0x5082, v1  }
0x12d: {  	v7 =	vsub.f32 v7, v6  }
0x12e: {  	[tilespmem:$0x84A0] =	vst v6  }
0x12f: {  	[tilespmem:$0x88A0] =	vst v7  }
0x130: {  	v6 =	vld.idx.msk [tilespmem:v17+s12+$0x0], $0xffff  }
0x131: {  	v7 =	vld.idx.msk [tilespmem:v18+s12+$0x0], $0xffff;
	_ =	sdelay $0x1  }
0x132: {  	v19 =	vld [tilespmem:$0xA0];
	_ =	sdelay $0x2  }
0x133: {  	v12 =	vor.u32 $0x5800, v1;
	v7 =	vsub.f32 v7, v6  }
0x134: {  	[tilespmem:$0x85A0] =	vst v6;
	v6 =	vadd.s32 $0x5880, v1  }
0x135: {  	[tilespmem:$0x89A0] =	vst v7;
	v7 =	vsub.f32 v8, v19  }
0x136: {  	[tilespmem:$0x86A0] =	vst v19  }
0x137: {  	[tilespmem:$0x8AA0] =	vst v7  }
0x138: {  	v7 =	vld.idx.msk [tilespmem:v12+s12+$0x0], $0xffff  }
0x139: {  	v6 =	vld.idx.msk [tilespmem:v6+s12+$0x0], $0xffff  }
0x13a: {  	v13 =	vadd.s32 $0xB1, v0;
	_ =	sdelay $0x1  }
0x13b: {  	v14 =	vor.u32 $0x5801, v1  }
0x13c: {  	v15 =	vadd.s32 $0x5881, v1  }
0x13d: {  	v6 =	vsub.f32 v6, v7  }
0x13e: {  	v8 =	vld.idx.msk [tilespmem:v13+s6+$0x0], $0xffff;
	[tilespmem:$0x83B0] =	vst v7  }
0x13f: {  	[tilespmem:$0x87B0] =	vst v6  }
0x140: {  	v6 =	vld.idx.msk [tilespmem:v14+s12+$0x0], $0xffff  }
0x141: {  	v7 =	vld.idx.msk [tilespmem:v15+s12+$0x0], $0xffff;
	_ =	sdelay $0x2  }
0x142: {  	v16 =	vor.u32 $0x5802, v1  }
0x143: {  	v17 =	vadd.s32 $0x5882, v1  }
0x144: {  	v7 =	vsub.f32 v7, v6  }
0x145: {  	[tilespmem:$0x84B0] =	vst v6  }
0x146: {  	[tilespmem:$0x88B0] =	vst v7  }
0x147: {  	v6 =	vld.idx.msk [tilespmem:v16+s12+$0x0], $0xffff  }
0x148: {  	v7 =	vld.idx.msk [tilespmem:v17+s12+$0x0], $0xffff;
	_ =	sdelay $0x1  }
0x149: {  	v18 =	vld [tilespmem:$0xB0];
	_ =	sdelay $0x2  }
0x14a: {  	v19 =	vor.u32 $0x6000, v1;
	v7 =	vsub.f32 v7, v6  }
0x14b: {  	[tilespmem:$0x85B0] =	vst v6;
	v6 =	vadd.s32 $0x6080, v1  }
0x14c: {  	[tilespmem:$0x89B0] =	vst v7;
	v7 =	vsub.f32 v8, v18  }
0x14d: {  	[tilespmem:$0x86B0] =	vst v18  }
0x14e: {  	[tilespmem:$0x8AB0] =	vst v7  }
0x14f: {  	v7 =	vld.idx.msk [tilespmem:v19+s12+$0x0], $0xffff  }
0x150: {  	v6 =	vld.idx.msk [tilespmem:v6+s12+$0x0], $0xffff  }
0x151: {  	v12 =	vadd.s32 $0xC1, v0;
	_ =	sdelay $0x1  }
0x152: {  	v13 =	vor.u32 $0x6001, v1  }
0x153: {  	v14 =	vadd.s32 $0x6081, v1  }
0x154: {  	v6 =	vsub.f32 v6, v7  }
0x155: {  	v8 =	vld.idx.msk [tilespmem:v12+s6+$0x0], $0xffff;
	[tilespmem:$0x83C0] =	vst v7  }
0x156: {  	[tilespmem:$0x87C0] =	vst v6  }
0x157: {  	v6 =	vld.idx.msk [tilespmem:v13+s12+$0x0], $0xffff  }
0x158: {  	v7 =	vld.idx.msk [tilespmem:v14+s12+$0x0], $0xffff;
	_ =	sdelay $0x2  }
0x159: {  	v15 =	vor.u32 $0x6002, v1  }
0x15a: {  	v16 =	vadd.s32 $0x6082, v1  }
0x15b: {  	v7 =	vsub.f32 v7, v6  }
0x15c: {  	[tilespmem:$0x84C0] =	vst v6  }
0x15d: {  	[tilespmem:$0x88C0] =	vst v7  }
0x15e: {  	v6 =	vld.idx.msk [tilespmem:v15+s12+$0x0], $0xffff  }
0x15f: {  	v7 =	vld.idx.msk [tilespmem:v16+s12+$0x0], $0xffff;
	_ =	sdelay $0x1  }
0x160: {  	v17 =	vld [tilespmem:$0xC0];
	_ =	sdelay $0x2  }
0x161: {  	v18 =	vor.u32 $0x6800, v1;
	v7 =	vsub.f32 v7, v6  }
0x162: {  	[tilespmem:$0x85C0] =	vst v6;
	v6 =	vadd.s32 $0x6880, v1  }
0x163: {  	[tilespmem:$0x89C0] =	vst v7;
	v7 =	vsub.f32 v8, v17  }
0x164: {  	[tilespmem:$0x86C0] =	vst v17  }
0x165: {  	[tilespmem:$0x8AC0] =	vst v7  }
0x166: {  	v7 =	vld.idx.msk [tilespmem:v18+s12+$0x0], $0xffff  }
0x167: {  	v6 =	vld.idx.msk [tilespmem:v6+s12+$0x0], $0xffff  }
0x168: {  	v19 =	vadd.s32 $0xD1, v0;
	_ =	sdelay $0x1  }
0x169: {  	v12 =	vor.u32 $0x6801, v1  }
0x16a: {  	v13 =	vadd.s32 $0x6881, v1  }
0x16b: {  	v6 =	vsub.f32 v6, v7  }
0x16c: {  	v8 =	vld.idx.msk [tilespmem:v19+s6+$0x0], $0xffff;
	[tilespmem:$0x83D0] =	vst v7  }
0x16d: {  	[tilespmem:$0x87D0] =	vst v6  }
0x16e: {  	v6 =	vld.idx.msk [tilespmem:v12+s12+$0x0], $0xffff  }
0x16f: {  	v7 =	vld.idx.msk [tilespmem:v13+s12+$0x0], $0xffff;
	_ =	sdelay $0x2  }
0x170: {  	v14 =	vor.u32 $0x6802, v1  }
0x171: {  	v15 =	vadd.s32 $0x6882, v1  }
0x172: {  	v7 =	vsub.f32 v7, v6  }
0x173: {  	[tilespmem:$0x84D0] =	vst v6  }
0x174: {  	[tilespmem:$0x88D0] =	vst v7  }
0x175: {  	v6 =	vld.idx.msk [tilespmem:v14+s12+$0x0], $0xffff  }
0x176: {  	v7 =	vld.idx.msk [tilespmem:v15+s12+$0x0], $0xffff;
	_ =	sdelay $0x1  }
0x177: {  	v16 =	vld [tilespmem:$0xD0];
	_ =	sdelay $0x2  }
0x178: {  	v17 =	vor.u32 $0x7000, v1;
	v7 =	vsub.f32 v7, v6  }
0x179: {  	[tilespmem:$0x85D0] =	vst v6;
	v6 =	vadd.s32 $0x7080, v1  }
0x17a: {  	[tilespmem:$0x89D0] =	vst v7;
	v7 =	vsub.f32 v8, v16  }
0x17b: {  	[tilespmem:$0x86D0] =	vst v16  }
0x17c: {  	[tilespmem:$0x8AD0] =	vst v7  }
0x17d: {  	v7 =	vld.idx.msk [tilespmem:v17+s12+$0x0], $0xffff  }
0x17e: {  	v6 =	vld.idx.msk [tilespmem:v6+s12+$0x0], $0xffff  }
0x17f: {  	v18 =	vadd.s32 $0xE1, v0;
	_ =	sdelay $0x1  }
0x180: {  	v19 =	vor.u32 $0x7001, v1  }
0x181: {  	v12 =	vadd.s32 $0x7081, v1  }
0x182: {  	v6 =	vsub.f32 v6, v7  }
0x183: {  	v8 =	vld.idx.msk [tilespmem:v18+s6+$0x0], $0xffff;
	[tilespmem:$0x83E0] =	vst v7  }
0x184: {  	[tilespmem:$0x87E0] =	vst v6  }
0x185: {  	v6 =	vld.idx.msk [tilespmem:v19+s12+$0x0], $0xffff  }
0x186: {  	v7 =	vld.idx.msk [tilespmem:v12+s12+$0x0], $0xffff;
	_ =	sdelay $0x2  }
0x187: {  	v13 =	vor.u32 $0x7002, v1  }
0x188: {  	v14 =	vadd.s32 $0x7082, v1  }
0x189: {  	v7 =	vsub.f32 v7, v6  }
0x18a: {  	[tilespmem:$0x84E0] =	vst v6  }
0x18b: {  	v15 =	vld [tilespmem:$0xE0];
	[tilespmem:$0x88E0] =	vst v7  }
0x18c: {  	v6 =	vld.idx.msk [tilespmem:v13+s12+$0x0], $0xffff  }
0x18d: {  	v7 =	vld.idx.msk [tilespmem:v14+s12+$0x0], $0xffff;
	_ =	sdelay $0x3  }
0x18e: {  	v16 =	vor.u32 $0x7800, v1  }
0x18f: {  	[tilespmem:$0x86E0] =	vst v15;
	v7 =	vsub.f32 v7, v6  }
0x190: {  	[tilespmem:$0x85E0] =	vst v6;
	v6 =	vsub.f32 v8, v15  }
0x191: {  	[tilespmem:$0x89E0] =	vst v7  }
0x192: {  	[tilespmem:$0x8AE0] =	vst v6  }
0x193: {  	v6 =	vld.idx.msk [tilespmem:v16+s12+$0x0], $0xffff  }
0x194: {  	v7 =	vld.idx.msk [tilespmem:v61+s12+$0x0], $0xffff;
	_ =	sdelay $0x2  }
0x195: {  	v17 =	vor.u32 $0x7801, v1;
	_ =	sdelay $0x1  }
0x196: {  	v7 =	vsub.f32 v7, v6  }
0x197: {  	v9 =	vld.idx.msk [tilespmem:v60+s6+$0x0], $0xffff;
	[tilespmem:$0x83F0] =	vst v6  }
0x198: {  	[tilespmem:$0x87F0] =	vst v7  }
0x199: {  	v6 =	vld.idx.msk [tilespmem:v17+s12+$0x0], $0xffff  }
0x19a: {  	v7 =	vld.idx.msk [tilespmem:v62+s12+$0x0], $0xffff;
	_ =	sdelay $0x2  }
0x19b: {  	v18 =	vor.u32 $0x7802, v1;
	_ =	sdelay $0x1  }
0x19c: {  	v7 =	vsub.f32 v7, v6  }
0x19d: {  	[tilespmem:$0x84F0] =	vst v6  }
0x19e: {  	v19 =	vld [tilespmem:$0xF0];
	[tilespmem:$0x88F0] =	vst v7  }
0x19f: {  	v6 =	vld.idx.msk [tilespmem:v18+s12+$0x0], $0xffff  }
0x1a0: {  	v7 =	vld.idx.msk [tilespmem:v63+s12+$0x0], $0xffff;
	_ =	sdelay $0x4  }
0x1a1: {  	[tilespmem:$0x86F0] =	vst v19;
	v7 =	vsub.f32 v7, v6  }
0x1a2: {  	[tilespmem:$0x85F0] =	vst v6;
	v6 =	vsub.f32 v9, v19  }
0x1a3: {  	[tilespmem:$0x89F0] =	vst v7  }
0x1a4: {  	s19 =	simm.s32 $0x0;
	[tilespmem:$0x8AF0] =	vst v6  }
.LBB2_2:
0x1a5: {  	s20 =	sshll.u32 s19, $0xC  }
0x1a6: {  	s20 =	sadd.s32 s9, s20  }
0x1a7: {  	s21 =	sshrl.u32 s20, $0x3  }
0x1a8: {  	s22 =	simm.s32 $0x0;
	s21 =	sadd.s32 s0, s21  }
0x1a9: {  	[tilespmem:s15], [sflag:$0x1] =	stream.linear.gather [hbm4b:s21+s22], $0x1000, $0x38;
	[tilespmem:$0xDB00] =	vst v63  }
0x1aa: {  	_ =	swait.ge [sflag:s11], $0x1000  }
0x1ab: {  	[sflag:s11] =	ssyncset.done $0x0  }
0x1ac: {  	s31 =	simm.s32 $0x0;
	[sflag:s11] =	ssyncadd.s32 $0xFFFFF000  }
0x1ad: {  	v6 =	vld [tilespmem:s31+$0x8B00];
	_ =	sdelay $0x4  }
0x1ae: {  	v6 =	vmul.f32 $2.550000000e+02, v6;
	_ =	sdelay $0x1  }
0x1af: {  	v6 =	vmax.f32 v6, $0.0e+00  }
0x1b0: {  	v7 =	vmin.f32 v6, $2.550000000e+02  }
0x1b1: {  	v6 =	vtrunc.f32 v7  }
0x1b2: {  	v6 =	vcvt.f32.s32 v6;
	_ =	sdelay $0x1  }
0x1b3: {  	v9 =	vadd.s32 $0x400, v6  }
0x1b4: {  	v10 =	vadd.s32 $0x500, v6  }
0x1b5: {  	v8 =	vadd.s32 $0x600, v6  }
0x1b6: {  	v11 =	vadd.s32 $0x100, v6  }
0x1b7: {  	v13 =	vld.idx.msk [tilespmem:v6+s16+$0x0], $0xffff  }
0x1b8: {  	v12 =	vadd.s32 $0x700, v6;
	v9 =	vld.idx.msk [tilespmem:v9+s16+$0x0], $0xffff  }
0x1b9: {  	v14 =	vadd.s32 $0x200, v6;
	v16 =	vcvt.s32.f32 v6;
	v10 =	vld.idx.msk [tilespmem:v10+s16+$0x0], $0xffff  }
0x1ba: {  	v15 =	vadd.s32 $0x300, v6;
	v8 =	vld.idx.msk [tilespmem:v8+s16+$0x0], $0xffff  }
0x1bb: {  	v16 =	vsub.f32 v7, v16;
	v6 =	vmul.u32 $0x4, v0;
	v11 =	vld.idx.msk [tilespmem:v11+s16+$0x0], $0xffff;
	_ =	sdelay $0x1  }
0x1bc: {  	v12 =	vld.idx.msk [tilespmem:v12+s16+$0x0], $0xffff;
	v7 =	vor.u32 $0x1, v6;
	v9 =	vmul.f32 v16, v9  }
0x1bd: {  	v14 =	vld.idx.msk [tilespmem:v14+s16+$0x0], $0xffff;
	v17 =	vor.u32 s22, v6;
	v18 =	vor.u32 s22, v7;
	v10 =	vmul.f32 v10, v16  }
0x1be: {  	v15 =	vld.idx.msk [tilespmem:v15+s16+$0x0], $0xffff;
	v19 =	vmul.f32 v8, v16;
	v8 =	vor.u32 $0x2, v6;
	v13 =	vadd.f32 v9, v13  }
0x1bf: {  	v20 =	vadd.f32 v10, v11;
	v10 =	vor.u32 s22, v8;
	v9 =	vor.u32 $0x3, v6  }
0x1c0: {  	v11 =	vor.u32 s22, v9  }
0x1c1: {  	v12 =	vmul.f32 v12, v16  }
0x1c2: {  	[tilespmem:v17+s17+$0x0] =	vst.idx.msk $0xffff, v13;
	v13 =	vadd.f32 v19, v14  }
0x1c3: {  	s21 =	simm.s32 $0x40;
	v12 =	vadd.f32 v12, v15;
	[tilespmem:v18+s17+$0x0] =	vst.idx.msk $0xffff, v20  }
.LBB2_3:
0x1c4: {  	p0 =	sne.s32 s21, $0x3FC0;
	[tilespmem:v10+s17+$0x0] =	vst.idx.msk $0xffff, v13;
	s22 =	smov.u32 s21;
	s21 =	sadd.s32 $0x40, s21  }
0x1c5: {  	s23 =	sshra.s32 s22, $0x2;
	[tilespmem:v11+s17+$0x0] =	vst.idx.msk $0xffff, v12  }
0x1c6: {  	v10 =	vld [tilespmem:s23+$0x8B00];
	_ =	sdelay $0x4  }
0x1c7: {  	v10 =	vmul.f32 $2.550000000e+02, v10;
	_ =	sdelay $0x1  }
0x1c8: {  	v10 =	vmax.f32 v10, $0.0e+00  }
0x1c9: {  	v10 =	vmin.f32 v10, $2.550000000e+02  }
0x1ca: {  	v11 =	vtrunc.f32 v10  }
0x1cb: {  	v11 =	vcvt.f32.s32 v11;
	_ =	sdelay $0x1  }
0x1cc: {  	v12 =	vadd.s32 $0x400, v11;
	v13 =	vadd.s32 $0x500, v11;
	v14 =	vadd.s32 $0x600, v11  }
0x1cd: {  	v15 =	vadd.s32 $0x100, v11;
	v16 =	vadd.s32 $0x200, v11;
	v17 =	vadd.s32 $0x700, v11  }
0x1ce: {  	v18 =	vcvt.s32.f32 v11;
	v19 =	vadd.s32 $0x300, v11;
	_ =	sdelay $0x1  }
0x1cf: {  	v11 =	vld.idx.msk [tilespmem:v11+s16+$0x0], $0xffff  }
0x1d0: {  	v14 =	vld.idx.msk [tilespmem:v14+s16+$0x0], $0xffff  }
0x1d1: {  	v12 =	vld.idx.msk [tilespmem:v12+s16+$0x0], $0xffff  }
0x1d2: {  	v13 =	vld.idx.msk [tilespmem:v13+s16+$0x0], $0xffff  }
0x1d3: {  	v15 =	vld.idx.msk [tilespmem:v15+s16+$0x0], $0xffff  }
0x1d4: {  	v18 =	vsub.f32 v10, v18;
	v17 =	vld.idx.msk [tilespmem:v17+s16+$0x0], $0xffff  }
0x1d5: {  	v16 =	vld.idx.msk [tilespmem:v16+s16+$0x0], $0xffff  }
0x1d6: {  	v20 =	vor.u32 s22, v6;
	v14 =	vmul.f32 v14, v18;
	v19 =	vld.idx.msk [tilespmem:v19+s16+$0x0], $0xffff  }
0x1d7: {  	v21 =	vor.u32 s22, v7;
	v12 =	vmul.f32 v18, v12  }
.Ltmp0:
0x1d8: {  	v10 =	vor.u32 s22, v8;
	v13 =	vmul.f32 v13, v18;
	(pc) =	sbr.rel @p0 .LBB2_3-.Ltmp0, $4  }
0x1d9: {  	v12 =	vadd.f32 v12, v11;
	v11 =	vor.u32 s22, v9  }
0x1da: {  	v15 =	vadd.f32 v13, v15;
	v17 =	vmul.f32 v17, v18  }
0x1db: {  	v13 =	vadd.f32 v14, v16;
	[tilespmem:v20+s17+$0x0] =	vst.idx.msk $0xffff, v12  }
0x1dc: {  	v12 =	vadd.f32 v17, v19;
	[tilespmem:v21+s17+$0x0] =	vst.idx.msk $0xffff, v15  }
0x1dd: {  	_ =	sdelay $0x2  }
0x1de: {  	s19 =	sadd.s32 $0x1, s19  }
0x1df: {  	[tilespmem:v10+s17+$0x0] =	vst.idx.msk $0xffff, v13;
	s20 =	sshrl.u32 s20, $0x1;
	p0 =	sne.s32 s19, $0x80  }
.Ltmp1:
0x1e0: {  	[tilespmem:v11+s17+$0x0] =	vst.idx.msk $0xffff, v12;
	s20 =	sadd.s32 s5, s20;
	(pc) =	sbr.rel @p0 .LBB2_2-.Ltmp1, $4  }
0x1e1: {  	[hbm4b:s20+s6] =	stream.linear.scatter [tilespmem:s17], [sflag:$0x1], $0x4000, $0x38;
	[tilespmem:$0xDB00] =	vst v63  }
0x1e2: {  	_ =	swait.ge [sflag:s11], $0x4000  }
0x1e3: {  	[sflag:s11] =	ssyncset.done $0x0  }
0x1e4: {  	[sflag:s11] =	ssyncadd.s32 $0xFFFFC000  }
0x1e5: {  	s18 =	sadd.s32 $0x1, s18  }
0x1e6: {  	p0 =	sne.s32 s18, s10  }
.Ltmp2:
0x1e7: {  	_ = 	snop;
	(pc) =	sbr.rel @p0 .LBB2_1-.Ltmp2, $1  }
0x1e8: {  	_ =	sdelay $0x3  }
0x1e9: {  	_ =	sfence.sel $0x180000  }
0x1ea: {  	[bflag:$0x0] =	sbarrier.arrive $0xFFFF  }
0x1eb: {  	p0 =	sne.s32 s7, $0x0;
	_ =	strace $0x90000047  }
0x1ec: {  	s0 =	sadd.s32 @!p0 $0x100000, s4;
	[bflag:$0x2] =	sbarrier.arrive $0xFFFF  }
0x1ed: {  	[sflag:s0] =	ssyncadd.tile.s32 @!p0 $0x1;
	_ =	shalt  }
.Lfunc_end2:
_tile_overlayer_lowered:
.L_overlay_start_2:
0x1ee: {  	(tag) =	ssettag $0x2  }
0x1ef: {  	s0 =	rddreg [dreg:$0x0];
	s2 =	stileid.u32  }
0x1f0: {  	s1 =	rddreg [dreg:$0x1];
	p0 =	sne.s32 s2, $0x0  }
0x1f1: {  	s3 =	rddreg [dreg:$0x2];
	[bflag:$0x3] =	sbarrier.arrive $0xFFFF;
	s2 =	simm.s32 @!p0 $0x1C01  }
0x1f2: {  	[timem:s3], [sflag:s2] =	dma.local @!p0 [hbm:s0], s1  }
0x1f3: {  	s0 =	simm.s32 @!p0 $0x1  }
0x1f4: {  	_ =	swait.ge @!p0 [sflag:s0], s1  }
0x1f5: {  	s1 =	ssub.s32 @!p0 $0x0, s1;
	[sflag:s0] =	ssyncset.done @!p0 $0x0  }
0x1f6: {  	[sflag:s0] =	ssyncadd.s32 @!p0 s1  }
0x1f7: {  	[bflag:$0x3] =	sbarrier.arrive $0xFFFF  }
0x1f8: {  	_ =	shalt  }

// kernel: sparse-core-data-format-call.cloned.1.call-start
scs
called_computation_lowered:
.L_overlay_start_0:
0x0: {  	s2 =	sld [smem:$0x3FD9]  }
0x1: {  	s3 =	sld [smem:$0x3FFE];
	_ =	sdelay $0x1  }
0x2: {  	s1 =	srdreg.scid  }
0x3: {  	s0 =	sand.u32 $0x1, s1  }
0x4: {  	s18 =	sshll.u32 s0, $0xA;
	s2 =	sadd.s32 s3, s2  }
0x5: {  	s2 =	sadd.s32 s2, s18  }
0x6: {  	[smem:$0x3FC3] =	sst s2  }
0x7: {  	_ = 	snop  }
0x8: {  	s2 =	sld [smem:$0x3FD0];
	(tm) =	ssettm $0x1  }
0x9: {  	s19 =	sld [smem:$0x3FFB];
	_ =	sdelay $0x3  }
0xa: {  	_ =	strace s19  }
0xb: {  	s3 =	sld [smem:$0x3FFC];
	_ =	sdelay $0x3  }
0xc: {  	_ =	strace s3  }
0xd: {  	s3 =	sld [smem:$0x3FFD];
	_ =	sdelay $0x3  }
0xe: {  	_ =	strace s3  }
0xf: {  	_ =	strace $0x8FFFFFFF  }
0x10: {  	s20 =	sld [smem:$0x3FDB];
	_ =	sdelay $0x1  }
0x11: {  	s4 =	simm.s32 $_scs_section_size  }
0x12: {  	s5 =	simm.s32 $_size__tile_overlayer_lowered;
	s6 =	simm.s32 $_tile_overlayer_lowered  }
0x13: {  	s23 =	simm.s32 $0x1BFF;
	s22 =	sshll.u32 s6, $0x1;
	s3 =	sadd.s32 s4, s20  }
0x14: {  	s7 =	simm.s32 $0x0;
	s21 =	sshll.u32 s5, $0x1;
	s5 =	sadd.s32 s22, s3  }
0x15: {  	[timem:s7], [sflag:s23] =	dma.local [hbm:s5], s21  }
0x16: {  	_ =	swait.ge [sflag:s23], s21  }
0x17: {  	s4 =	ssub.s32 $0x0, s21;
	[sflag:s23] =	ssyncset.done $0x0  }
0x18: {  	[sflag:s23] =	ssyncadd.s32 s4;
	_ =	sdelay $0x1  }
0x19: {  	s24 =	simm.s32 $0x1B8B  }
0x1a: {  	_ =	swait.ge [sflag:s24], $0x1  }
0x1b: {  	[sflag:s24] =	ssyncset.done $0x0  }
0x1c: {  	s26 =	simm.s32 $0x1B8E;
	s25 =	sld [smem:$0x3FFE];
	[sflag:s24] =	ssyncadd.s32 $0xFFFFFFFF  }
0x1d: {  	s27 =	simm.s32 $execute0_lowered;
	[smem:$0x3FD2] =	sst s26  }
0x1e: {  	s5 =	sshll.u32 s27, $0x1;
	_ =	strace $0x80000049;
	[dreg:$0x1] =	wrdreg $0xFFFFFFFF  }
0x1f: {  	s28 =	simm.s32 $_size_execute0_lowered;
	s3 =	sadd.s32 s3, s5;
	[dreg:$0x0] =	wrdreg $0x0  }
0x20: {  	s5 =	sshll.u32 s28, $0x1;
	[dreg:$0x2] =	wrdreg s3  }
0x21: {  	[dreg:$0x3] =	wrdreg s5  }
0x22: {  	[dreg:$0x4] =	wrdreg $0xC0  }
0x23: {  	_ =	task [dreg:s7], $0x5FFFF  }
0x24: {  	[dreg:$0x1] =	wrdreg $0xFFFFFFFF  }
0x25: {  	[dreg:$0x0] =	wrdreg $0x60  }
0x26: {  	[dreg:$0x2] =	wrdreg s25  }
0x27: {  	[dreg:$0x3] =	wrdreg s2  }
0x28: {  	[dreg:$0x4] =	wrdreg $0x9  }
0x29: {  	_ =	task.clear_ibuf [dreg:s7], $0x5FFFF;
	_ =	strace $0x90000049  }
0x2a: {  	s29 =	simm.s32 $0x9;
	_ =	strace $0x8000004B  }
0x2b: {  	_ =	swait.ge [sflag:s29], $0x1  }
0x2c: {  	[sflag:s29] =	ssyncadd.s32 $0xFFFFFFFF  }
0x2d: {  	_ =	strace $0x9000004B  }
0x2e: {  	_ =	sfence  }
0x2f: {  	s30 =	sld [smem:$0x0];
	_ =	sdelay $0x2  }
0x30: {  	s31 =	sshll.u32 s1, $0xD;
	s1 =	sshrl.u32 s1, $0x2  }
0x31: {  	s3 =	sand.u32 $0x4000, s31;
	s1 =	sadd.s32 s1, s30  }
0x32: {  	s0 =	sor.u32 s3, s0;
	s1 =	sshll.u32 s1, $0x11  }
0x33: {  	s0 =	sor.u32 s1, s0  }
0x34: {  	s0 =	sadd.s32 $0x8F2B, s0  }
0x35: {  	[sflag:s0] =	ssyncadd.remote.s32 $0x1  }
0x36: {  	_ =	sfence.sel $0xFFFF  }
0x37: {  	[dreg:$0x0] =	wrdreg $0xFFFFFFFF;
	(pc) =	sbr.abs _section_cstart, $3  }
0x38: {  	[dreg:$0x1] =	wrdreg $0xFFFFFFFF  }
0x39: {  	_ =	task.clear_ibuf [dreg:s7], $0x2FFFF;
	_ =	strace $0x9FFFFFFF  }
0x3a: {  	(tm) =	ssettm $0x7FFFFFFF  }
0x3b: {  	_ =	shalt  }
tec
execute0_lowered:
.L_overlay_start_1:
0x0: {  	(tag) =	ssettag $0x1  }
0x1: {  	s0 =	srdreg.scid  }
0x2: {  	s5 =	rddreg [dreg:$0x0];
	s1 =	sshll.u32 s0, $0x4  }
0x3: {  	s2 =	rddreg [dreg:$0x1];
	s0 =	stileid.u32;
	s1 =	sand.u32 $0x10, s1  }
0x4: {  	s4 =	simm.s32 $0x1;
	s8 =	simm.s32 $0x2;
	s1 =	sor.u32 s0, s1  }
0x5: {  	s12 =	simm.s32 $0x0;
	s9 =	simm.s32 $0x0;
	s3 =	sshll.u32 s1, $0x7  }
0x6: {  	s11 =	simm.s32 $0x0;
	s5 =	sadd.s32 $0x800, s5;
	s6 =	ssub.s32 $0x1000000, s3  }
.Ltmp0:
0x7: {  	s1 =	rddreg [dreg:$0x2];
	s7 =	sand.u32 $0xF80, s6;
	(pc) =	sbr.rel .LBB1_1-.Ltmp0, $4  }
0x8: {  	_ =	strace $0x8000004A;
	p0 =	sne.s32 s7, $0x0;
	s7 =	simm.s32 $0x1  }
0x9: {  	[sflag:s4] =	ssyncpa.u1 $0x0;
	s6 =	sshrl.u32 s6, $0xC;
	s7 =	simm.s32 @!p0 $0x0  }
0xa: {  	s10 =	smov.u32 s3;
	[sflag:s8] =	ssyncpa.u1 $0x0;
	s6 =	sadd.s32 s7, s6  }
0xb: {  	s8 =	simm.s32 $0x4000000;
	p0 =	por $0x0, $0x0;
	s7 =	sadd.s32 $0x1, s6  }
.LBB1_4:
0xc: {  	p1 =	sgt.s32 s9, $0xFFFF80;
	s15 =	smov.u32 s9;
	s16 =	sshra.s32 s9, $0x1F  }
0xd: {  	s15 =	simm.s32 @!p1 $0xFFFF80;
	s16 =	sand.u32 s16, s9  }
0xe: {  	s15 =	ssub.s32 s15, s16  }
0xf: {  	s28 =	sand.u32 $0x78, s9;
	s17 =	sshll.u32 s9, $0x2;
	s15 =	sadd.s32 $0xFF000080, s15  }
0x10: {  	s17 =	sand.u32 $0x3FFFE00, s17;
	p1 =	sgt.s32 s15, $0x7F;
	s15 =	sshll.u32 s15, $0x4  }
0x11: {  	s29 =	sand.u32 $0x7, s9;
	s16 =	sor.u32 s28, s17;
	s15 =	ssub.s32 $0x800, s15  }
0x12: {  	s17 =	sshll.u32 s29, $0x12;
	s16 =	sshrl.u32 s16, $0x3;
	s15 =	sshrl.u32 s15, $0x2  }
0x13: {  	[tilespmem:s14+$0x0 ss:$0x81] =	vst.msk $0xffff, v0;
	s31 =	sor.u32 $0x200, s17;
	s30 =	sadd.s32 s2, s16;
	s15 =	simm.s32 @p1 $0x0  }
0x14: {  	[hbm4b:s30+s31] =	stream.strided.scatter [tilespmem:s13], [sflag:$0x2], s15, s8, s31, $0x20;
	[tilespmem:$0x4040] =	vst v63  }
.LBB1_5:
0x15: {  	p1 =	slt.u32 s11, $0x2  }
0x16: {  	p2 =	sgt.s32 @!p1 s12, $0xFFFF80  }
0x17: {  	s13 =	smov.u32 s12;
	s14 =	sshra.s32 @!p1 s12, $0x1F;
	p2 =	por !p2, p1  }
0x18: {  	s12 =	sand.u32 @!p1 s14, s12;
	s13 =	simm.s32 @p2 $0xFFFF80  }
0x19: {  	s12 =	ssub.s32 @!p1 s13, s12  }
0x1a: {  	s12 =	sadd.s32 @!p1 $0xFF000080, s12  }
0x1b: {  	s13 =	sshll.u32 @!p1 s12, $0x4  }
0x1c: {  	p2 =	sgt.s32 @!p1 s12, $0x7F;
	s12 =	ssub.s32 @!p1 $0x800, s13  }
0x1d: {  	s14 =	sadd.s32 $0x1000, s10;
	p2 =	por !p2, p1;
	s12 =	sshrl.u32 @!p1 s12, $0x2  }
0x1e: {  	s12 =	simm.s32 @!p2 $0x0;
	p2 =	sgt.s32 s14, $0xFFFFFF  }
0x1f: {  	s14 =	smov.u32 @p2 s3;
	p2 =	sne.s32 s11, s7  }
.Ltmp1:
0x20: {  	_ = 	snop;
	(pc) =	sbr.rel @!p2 .LBB1_6-.Ltmp1, $4  }
0x21: {  	s13 =	simm.s32 @!p1 $0x2  }
0x22: {  	p0 =	por !p0, !p0;
	_ =	swait.ge @!p1 [sflag:s13], s12;
	s15 =	ssub.s32 @!p1 $0x0, s12  }
0x23: {  	s12 =	smov.u32 s9;
	s11 =	sadd.s32 $0x1, s11;
	[sflag:s13] =	ssyncset.done @!p1 $0x0  }
0x24: {  	s9 =	smov.u32 s10;
	s10 =	smov.u32 s14;
	[sflag:s13] =	ssyncadd.s32 @!p1 s15  }
.LBB1_1:
0x25: {  	p1 =	sge.u32 s11, s6  }
0x26: {  	s31 =	sadd.s32 $0xFFFFFFFF, s11;
	s13 =	sxor.u32 @!p1 $0xFFFFFFFF, s11;
	s14 =	sshll.u32 @!p1 s10, $0x4  }
0x27: {  	s15 =	simm.s32 @!p1 $0x20;
	s13 =	sshll.u32 @!p1 s13, $0xC;
	s14 =	sand.u32 @!p1 $0xFFFFFF0, s14  }
0x28: {  	s16 =	simm.s32 @!p1 $0x80;
	s13 =	sand.u32 @!p1 $0x1000, s13;
	s14 =	sadd.s32 @!p1 s5, s14  }
0x29: {  	[tilespmem:s13], [sflag:$0x1] =	stream.strided.gather @!p1 [hbm4b:s14+s15], $0x1000, s16, s15, $0x38;
	[tilespmem:$0x4040] =	vst v63  }
0x2a: {  	p1 =	sge.u32 s31, s6  }
.Ltmp2:
0x2b: {  	_ = 	snop;
	(pc) =	sbr.rel @p1 .LBB1_5-.Ltmp2, $1  }
0x2c: {  	_ =	sdelay $0x3  }
0x2d: {  	s13 =	simm.s32 $0x1  }
0x2e: {  	_ =	swait.ge [sflag:s4], $0x1000;
	s13 =	simm.s32 @!p0 $0x0  }
0x2f: {  	[sflag:s4] =	ssyncset.done $0x0;
	s14 =	sshll.u32 s13, $0xC  }
0x30: {  	[sflag:s4] =	ssyncadd.s32 $0xFFFFF000;
	s17 =	sor.u32 $0x10, s14  }
0x31: {  	s13 =	smul.u32 $0x4080, s13;
	v1 =	vld [tilespmem:s17+$0x0]  }
0x32: {  	s30 =	sand.u32 $0x1, s11;
	v0 =	vld [tilespmem:s17+$0xFFFFFFF0]  }
0x33: {  	s14 =	smul.u32 $0x4080, s30;
	s13 =	sshrl.u32 s13, $0x2  }
0x34: {  	s15 =	sor.u32 $0x2000, s13  }
0x35: {  	s31 =	sshrl.u32 s14, $0x2;
	s14 =	sadd.s32 $0x0, s15  }
0x36: {  	s16 =	simm.s32 $0x4;
	s17 =	sadd.s32 $0x20, s17;
	s13 =	sor.u32 $0x2000, s31;
	[tilespmem:s14+$0x810 ss:$0x81] =	vst.msk $0xffff, v1  }
.LBB1_3:
0x37: {  	v1 =	vld [tilespmem:s17+$0x0];
	p1 =	sne.s32 s16, $0x1FC;
	[tilespmem:s14+$0x0 ss:$0x81] =	vst.msk $0xffff, v0;
	s14 =	smov.u32 s16;
	s16 =	sadd.s32 $0x4, s16  }
.Ltmp3:
0x38: {  	v0 =	vld [tilespmem:s17+$0xFFFFFFF0];
	(pc) =	sbr.rel @p1 .LBB1_3-.Ltmp3, $4  }
0x39: {  	_ = 	snop  }
0x3a: {  	s14 =	sshra.s32 s14, $0x2  }
0x3b: {  	s14 =	sadd.s32 s14, s15  }
0x3c: {  	s17 =	sadd.s32 $0x20, s17;
	[tilespmem:s14+$0x810 ss:$0x81] =	vst.msk $0xffff, v1  }
.Ltmp4:
0x3d: {  	_ = 	snop;
	(pc) =	sbr.rel .LBB1_4-.Ltmp4, $1  }
0x3e: {  	_ =	sdelay $0x3  }
.LBB1_6:
0x3f: {  	_ =	sfence.sel $0x180000  }
0x40: {  	s2 =	simm.s32 $0x1;
	[bflag:$0x0] =	sbarrier.arrive $0xFFFF  }
0x41: {  	s31 =	simm.s32 $0x2;
	[sflag:s2] =	ssyncpa.u1 $0x1  }
0x42: {  	[sflag:s31] =	ssyncpa.u1 $0x1  }
0x43: {  	p0 =	sne.s32 s0, $0x0;
	_ =	strace $0x9000004A  }
0x44: {  	s0 =	sadd.s32 @!p0 $0x100000, s1;
	[bflag:$0x2] =	sbarrier.arrive $0xFFFF  }
0x45: {  	[sflag:s0] =	ssyncadd.tile.s32 @!p0 $0x1;
	_ =	shalt  }
.Lfunc_end1:
_tile_overlayer_lowered:
.L_overlay_start_2:
0x46: {  	(tag) =	ssettag $0x2  }
0x47: {  	s0 =	rddreg [dreg:$0x0];
	s2 =	stileid.u32  }
0x48: {  	s1 =	rddreg [dreg:$0x1];
	p0 =	sne.s32 s2, $0x0  }
0x49: {  	s3 =	rddreg [dreg:$0x2];
	[bflag:$0x3] =	sbarrier.arrive $0xFFFF;
	s2 =	simm.s32 @!p0 $0x1C01  }
0x4a: {  	[timem:s3], [sflag:s2] =	dma.local @!p0 [hbm:s0], s1  }
0x4b: {  	s0 =	simm.s32 @!p0 $0x1  }
0x4c: {  	_ =	swait.ge @!p0 [sflag:s0], s1  }
0x4d: {  	s1 =	ssub.s32 @!p0 $0x0, s1;
	[sflag:s0] =	ssyncset.done @!p0 $0x0  }
0x4e: {  	[sflag:s0] =	ssyncadd.s32 @!p0 s1  }
0x4f: {  	[bflag:$0x3] =	sbarrier.arrive $0xFFFF  }
0x50: {  	_ =	shalt  }

</sc_bundles>
